<compile_context>
chip_gen: v7x
topology: tpu7x:2x2x1
jax: 0.10.2.dev20260603
libtpu: 0.0.44.dev20260713+nightly
codegen_flags: <defaults>
</compile_context>

<pallas_src>
import functools

import jax
import jax.numpy as jnp
from jax import lax
from jax.experimental import pallas as pl
from jax.experimental.pallas import tpu as pltpu
from jax.experimental.pallas import tpu_sc as plsc

_BATCH = 1024
_SEQ = 200
_DIM = 128

_info = plsc.get_sparse_core_info()
_NC, _NS, _L = _info.num_cores, _info.num_subcores, _info.num_lanes
_NW = _NC * _NS
_ROWS_PER_W = _BATCH // _NW
_NBUF = 4


def _emb_kernel(inp_hbm, word_hbm, pos_hbm, out_hbm,
                idx_v, pos_v, rows_v, gsem, wsem):
    wid = lax.axis_index("s") * _NC + lax.axis_index("c")
    base = wid * _ROWS_PER_W
    half = _SEQ // 2
    npairs = _ROWS_PER_W // 2

    pltpu.sync_copy(pos_hbm, pos_v)
    pltpu.sync_copy(inp_hbm.at[wid, pl.ds(0, 4)], idx_v.at[0])

    def gather_row(t, q):
        s = lax.rem(t, 2)
        r = 2 * t + q
        cb = lax.rem(lax.div(r, 4), 2)
        r4 = lax.rem(r, 4)
        pltpu.async_copy(word_hbm.at[idx_v.at[cb, r4, 0]],
                         rows_v.at[s, q, pl.ds(0, half)], gsem.at[s])
        pltpu.async_copy(word_hbm.at[idx_v.at[cb, r4, 1]],
                         rows_v.at[s, q, pl.ds(half, half)], gsem.at[s])

    def step(t, _):
        @pl.when(t < npairs)
        def _a():
            s = lax.rem(t, 2)
            cb = lax.rem(lax.div(t, 2), 2)

            @pl.when(jnp.logical_and(lax.rem(t, 2) == 0, t > 0))
            def _stage_idx():
                pltpu.sync_copy(inp_hbm.at[wid, pl.ds(2 * t, 4)],
                                idx_v.at[cb])

            @pl.when(t >= 2)
            def _wait_write():
                pltpu.make_async_copy(rows_v.at[s],
                                      out_hbm.at[pl.ds(base, 2)],
                                      wsem.at[s]).wait()

            gather_row(t, 0)
            gather_row(t, 1)

        @pl.when(t >= 1)
        def _b():
            s = lax.rem(t - 1, 2)
            pltpu.make_async_copy(out_hbm.at[pl.ds(base, 2)], rows_v.at[s],
                                  gsem.at[s]).wait()

            def add_row(rr, _):
                vals = [pos_v[rr, pl.ds(c * _L, _L)]
                        for c in range(_DIM // _L)]
                for q in range(2):
                    for c in range(_DIM // _L):
                        plsc.addupdate(
                            rows_v.at[s, q, rr, pl.ds(c * _L, _L)], vals[c])
                return 0

            lax.fori_loop(0, _SEQ, add_row, 0, unroll=2)
            pltpu.async_copy(rows_v.at[s],
                             out_hbm.at[pl.ds(base + 2 * (t - 1), 2)],
                             wsem.at[s])

        return 0

    lax.fori_loop(0, npairs + 1, step, 0)

    for s in range(2):
        pltpu.make_async_copy(rows_v.at[s], out_hbm.at[pl.ds(base, 2)],
                              wsem.at[s]).wait()


def kernel(inputs, word_table, pos_table):
    inp4 = inputs.reshape(_NW, _ROWS_PER_W, 2, _SEQ // 2)
    mesh = plsc.VectorSubcoreMesh(core_axis_name="c", subcore_axis_name="s")
    run = pl.kernel(
        _emb_kernel,
        mesh=mesh,
        out_type=jax.ShapeDtypeStruct((_BATCH, _SEQ, _DIM), jnp.float32),
        scratch_types=[
            pltpu.VMEM((2, 4, 2, _SEQ // 2), jnp.int32),
            pltpu.VMEM((_SEQ, _DIM), jnp.float32),
            pltpu.VMEM((2, 2, _SEQ, _DIM), jnp.float32),
            pltpu.SemaphoreType.DMA((2,)),
            pltpu.SemaphoreType.DMA((2,)),
        ],
    )
    return run(inp4, word_table, pos_table)

# --- scband reference (transcript-rebuilt; emitter-appended) ---
"""Pipeline reference for scband-position-embedding-layer-with-fixed-weights-7825430413613 (READ-ONLY COPY).

The authoritative reference and input builder live on the scoring server;
editing this copy changes nothing except your own understanding.
"""

import jax, jax.numpy as jnp
import numpy as np

SEQ_LENGTH = 200
VOCAB_SIZE = 100000
OUTPUT_DIM = 128
BATCH = 1024


def _position_encoding(seq_len, d, n=10000.0):
    # Vectorized, mathematically identical to the original double loop:
    # P[k, 2i]   = sin(k / n^(2i/d))
    # P[k, 2i+1] = cos(k / n^(2i/d))
    k = np.arange(seq_len, dtype=np.float64)[:, None]
    i = np.arange(d // 2, dtype=np.float64)[None, :]
    denom = np.power(n, 2.0 * i / d)
    P = np.zeros((seq_len, d), dtype=np.float64)
    P[:, 0::2] = np.sin(k / denom)
    P[:, 1::2] = np.cos(k / denom)
    return jnp.asarray(P, dtype=jnp.float32)


def setup_inputs(seed: int = 0) -> dict:
    key = jax.random.key(seed)
    k1, _ = jax.random.split(key)
    inputs = jax.random.randint(k1, (BATCH, SEQ_LENGTH), 0, VOCAB_SIZE, dtype=jnp.int32)
    word_table = _position_encoding(VOCAB_SIZE, OUTPUT_DIM)
    pos_table = _position_encoding(SEQ_LENGTH, OUTPUT_DIM)
    return {"inputs": inputs, "word_table": word_table, "pos_table": pos_table}


def reference(inputs, word_table, pos_table):
    # position_indices = tf.range(0, tf.shape(inputs)[-1])
    position_indices = jnp.arange(inputs.shape[-1])
    # embedding lookups (gather)
    embedded_words = jnp.take(word_table, inputs, axis=0)
    embedded_positions = jnp.take(pos_table, position_indices, axis=0)
    out = embedded_words + embedded_positions
    return out

if __name__ == "__main__":
    import jax
    _d = setup_inputs()
    print(jax.jit(kernel)(*tuple(_d.values())))

</pallas_src>

<mosaic_0001>
#map = affine_map<(d0, d1) -> (0, 0, 0, 0)>
#map1 = affine_map<(d0, d1) -> (0, 0)>
#map2 = affine_map<(d0, d1) -> (0, 0, 0)>
module attributes {stable_mosaic.version = 14 : i64} {
  func.func @_emb_kernel(%arg0: i32, %arg1: i32, %arg2: memref<32x32x2x100xi32, #tpu.memory_space<hbm>>, %arg3: memref<100000x128xf32, #tpu.memory_space<hbm>>, %arg4: memref<200x128xf32, #tpu.memory_space<hbm>>, %arg5: memref<1024x200x128xf32, #tpu.memory_space<hbm>>, %arg6: memref<2x4x2x100xi32, #tpu.memory_space<vmem>>, %arg7: memref<200x128xf32, #tpu.memory_space<vmem>>, %arg8: memref<2x2x200x128xf32, #tpu.memory_space<vmem>>, %arg9: memref<2x!tpu.dma_semaphore, #tpu.memory_space<semaphore_mem>>, %arg10: memref<2x!tpu.dma_semaphore, #tpu.memory_space<semaphore_mem>>) attributes {dimension_semantics = [#tpu.dimension_semantics<core_parallel>, #tpu.dimension_semantics<subcore_parallel>], iteration_bounds = array<i64: 2, 16>, scalar_prefetch = 0 : i64, scratch_operands = 5 : i64, tpu.core_type = #tpu.core_type<sc_vector_subcore>, window_params = [{transform_indices = #map}, {transform_indices = #map1}, {transform_indices = #map1}, {transform_indices = #map2}]} {
    %mul3A = arith.constant 2 : i32
    %mul3A_0 = arith.muli %arg1, %mul3A : i32
    %add3A = arith.addi %mul3A_0, %arg0 : i32
    %mul3A_1 = arith.constant 32 : i32
    %mul3A_2 = arith.muli %add3A, %mul3A_1 : i32
    "tpu.region"() ({
      %run_scoped3A_48 = tpu.sem_alloc : memref<!tpu.dma_semaphore, #tpu.memory_space<semaphore_mem>>
      tpu.enqueue_dma source(%arg4 : memref<200x128xf32, #tpu.memory_space<hbm>>) target(%arg7 : memref<200x128xf32, #tpu.memory_space<vmem>>) target_semaphore(%run_scoped3A_48 : memref<!tpu.dma_semaphore, #tpu.memory_space<semaphore_mem>>)
      tpu.wait_dma2 semaphore(%run_scoped3A_48 : memref<!tpu.dma_semaphore, #tpu.memory_space<semaphore_mem>>) src(%arg4 : memref<200x128xf32, #tpu.memory_space<hbm>>) dst(%arg7 : memref<200x128xf32, #tpu.memory_space<vmem>>)
      tpu.yield
    }) : () -> ()
    %run_scoped3A = arith.constant 0 : i32
    "tpu.region"() ({
      %run_scoped3A_48 = tpu.sem_alloc : memref<!tpu.dma_semaphore, #tpu.memory_space<semaphore_mem>>
      %dma_start3A = arith.constant 0 : i32
      %dma_start3A_49 = arith.constant 0 : i32
      %dma_start3A_50 = arith.constant 0 : i32
      %dma_start3A_51 = tpu.memref_slice %arg6[%run_scoped3A, %dma_start3A, %dma_start3A_49, %dma_start3A_50] : memref<2x4x2x100xi32, #tpu.memory_space<vmem>> -> memref<1x4x2x100xi32, #tpu.memory_space<vmem>>
      %dma_start3A_52 = tpu.memref_squeeze %dma_start3A_51 : memref<1x4x2x100xi32, #tpu.memory_space<vmem>> -> memref<4x2x100xi32, #tpu.memory_space<vmem>>
      %dma_start3A_53 = arith.constant 0 : i32
      %dma_start3A_54 = arith.constant 0 : i32
      %dma_start3A_55 = arith.constant 0 : i32
      %dma_start3A_56 = tpu.memref_slice %arg2[%add3A, %dma_start3A_53, %dma_start3A_54, %dma_start3A_55] : memref<32x32x2x100xi32, #tpu.memory_space<hbm>> -> memref<1x4x2x100xi32, #tpu.memory_space<hbm>>
      %dma_start3A_57 = tpu.memref_squeeze %dma_start3A_56 : memref<1x4x2x100xi32, #tpu.memory_space<hbm>> -> memref<4x2x100xi32, #tpu.memory_space<hbm>>
      %dma_start3A_58 = arith.constant 0 : i32
      %dma_start3A_59 = arith.constant 0 : i32
      %dma_start3A_60 = arith.constant 0 : i32
      %dma_start3A_61 = tpu.memref_slice %arg6[%run_scoped3A, %dma_start3A_58, %dma_start3A_59, %dma_start3A_60] : memref<2x4x2x100xi32, #tpu.memory_space<vmem>> -> memref<1x4x2x100xi32, #tpu.memory_space<vmem>>
      %dma_start3A_62 = tpu.memref_squeeze %dma_start3A_61 : memref<1x4x2x100xi32, #tpu.memory_space<vmem>> -> memref<4x2x100xi32, #tpu.memory_space<vmem>>
      %dma_start3A_63 = arith.constant 0 : i32
      %dma_start3A_64 = arith.constant 0 : i32
      %dma_start3A_65 = arith.constant 0 : i32
      %dma_start3A_66 = tpu.memref_slice %arg2[%add3A, %dma_start3A_63, %dma_start3A_64, %dma_start3A_65] : memref<32x32x2x100xi32, #tpu.memory_space<hbm>> -> memref<1x4x2x100xi32, #tpu.memory_space<hbm>>
      %dma_start3A_67 = tpu.memref_squeeze %dma_start3A_66 : memref<1x4x2x100xi32, #tpu.memory_space<hbm>> -> memref<4x2x100xi32, #tpu.memory_space<hbm>>
      tpu.enqueue_dma source(%dma_start3A_67 : memref<4x2x100xi32, #tpu.memory_space<hbm>>) target(%dma_start3A_62 : memref<4x2x100xi32, #tpu.memory_space<vmem>>) target_semaphore(%run_scoped3A_48 : memref<!tpu.dma_semaphore, #tpu.memory_space<semaphore_mem>>)
      %dma_wait3A_68 = arith.constant 0 : i32
      %dma_wait3A_69 = arith.constant 0 : i32
      %dma_wait3A_70 = arith.constant 0 : i32
      %dma_wait3A_71 = tpu.memref_slice %arg6[%run_scoped3A, %dma_wait3A_68, %dma_wait3A_69, %dma_wait3A_70] : memref<2x4x2x100xi32, #tpu.memory_space<vmem>> -> memref<1x4x2x100xi32, #tpu.memory_space<vmem>>
      %dma_wait3A_72 = tpu.memref_squeeze %dma_wait3A_71 : memref<1x4x2x100xi32, #tpu.memory_space<vmem>> -> memref<4x2x100xi32, #tpu.memory_space<vmem>>
      %dma_wait3A_73 = arith.constant 0 : i32
      %dma_wait3A_74 = arith.constant 0 : i32
      %dma_wait3A_75 = arith.constant 0 : i32
      %dma_wait3A_76 = tpu.memref_slice %arg2[%add3A, %dma_wait3A_73, %dma_wait3A_74, %dma_wait3A_75] : memref<32x32x2x100xi32, #tpu.memory_space<hbm>> -> memref<1x4x2x100xi32, #tpu.memory_space<hbm>>
      %dma_wait3A_77 = tpu.memref_squeeze %dma_wait3A_76 : memref<1x4x2x100xi32, #tpu.memory_space<hbm>> -> memref<4x2x100xi32, #tpu.memory_space<hbm>>
      %dma_wait3A_78 = arith.constant 0 : i32
      %dma_wait3A_79 = arith.constant 0 : i32
      %dma_wait3A_80 = arith.constant 0 : i32
      %dma_wait3A_81 = tpu.memref_slice %arg6[%run_scoped3A, %dma_wait3A_78, %dma_wait3A_79, %dma_wait3A_80] : memref<2x4x2x100xi32, #tpu.memory_space<vmem>> -> memref<1x4x2x100xi32, #tpu.memory_space<vmem>>
      %dma_wait3A_82 = tpu.memref_squeeze %dma_wait3A_81 : memref<1x4x2x100xi32, #tpu.memory_space<vmem>> -> memref<4x2x100xi32, #tpu.memory_space<vmem>>
      %dma_wait3A_83 = arith.constant 0 : i32
      %dma_wait3A_84 = arith.constant 0 : i32
      %dma_wait3A_85 = arith.constant 0 : i32
      %dma_wait3A_86 = tpu.memref_slice %arg2[%add3A, %dma_wait3A_83, %dma_wait3A_84, %dma_wait3A_85] : memref<32x32x2x100xi32, #tpu.memory_space<hbm>> -> memref<1x4x2x100xi32, #tpu.memory_space<hbm>>
      %dma_wait3A_87 = tpu.memref_squeeze %dma_wait3A_86 : memref<1x4x2x100xi32, #tpu.memory_space<hbm>> -> memref<4x2x100xi32, #tpu.memory_space<hbm>>
      tpu.wait_dma2 semaphore(%run_scoped3A_48 : memref<!tpu.dma_semaphore, #tpu.memory_space<semaphore_mem>>) src(%dma_wait3A_87 : memref<4x2x100xi32, #tpu.memory_space<hbm>>) dst(%dma_wait3A_82 : memref<4x2x100xi32, #tpu.memory_space<vmem>>)
      tpu.yield
    }) : () -> ()
    %scan3A = arith.constant 0 : i32
    %scan3A_3 = arith.constant 0 : i32
    %scan3A_4 = arith.constant 17 : i32
    %scan3A_5 = arith.addi %scan3A_3, %scan3A_4 : i32
    %scan3A_6 = arith.constant 1 : i32
    %scan3A_7 = scf.for %scan3A_48 = %scan3A_3 to %scan3A_5 step %scan3A_6 iter_args(%scan3A_49 = %scan3A) -> (i32)  : i32 {
      %lt3A = arith.constant 16 : i32
      %lt3A_50 = arith.cmpi slt, %scan3A_48, %lt3A : i32
      %convert_element_type3A = arith.extui %lt3A_50 : i1 to i32
      %cond3A = arith.constant 0 : i32
      %cond3A_51 = arith.cmpi ne, %convert_element_type3A, %cond3A : i32
      scf.if %cond3A_51 {
        %rem3A = arith.constant 2 : i32
        %rem3A_57 = arith.remsi %scan3A_48, %rem3A : i32
        %div3A = arith.constant 2 : i32
        %div3A_58 = arith.divsi %scan3A_48, %div3A : i32
        %rem3A_59 = arith.constant 2 : i32
        %rem3A_60 = arith.remsi %div3A_58, %rem3A_59 : i32
        %rem3A_61 = arith.constant 2 : i32
        %rem3A_62 = arith.remsi %scan3A_48, %rem3A_61 : i32
        %eq3A = arith.constant 0 : i32
        %eq3A_63 = arith.cmpi eq, %rem3A_62, %eq3A : i32
        %gt3A = arith.constant 0 : i32
        %gt3A_64 = arith.cmpi sgt, %scan3A_48, %gt3A : i32
        %and3A = arith.andi %eq3A_63, %gt3A_64 : i1
        %convert_element_type3A_65 = arith.extui %and3A : i1 to i32
        %cond3A_66 = arith.constant 0 : i32
        %cond3A_67 = arith.cmpi ne, %convert_element_type3A_65, %cond3A_66 : i32
        scf.if %cond3A_67 {
          %mul3A_152 = arith.constant 2 : i32
          %mul3A_153 = arith.muli %mul3A_152, %scan3A_48 : i32
          "tpu.region"() ({
            %run_scoped3A_154 = tpu.sem_alloc : memref<!tpu.dma_semaphore, #tpu.memory_space<semaphore_mem>>
            %dma_start3A_155 = arith.constant 0 : i32
            %dma_start3A_156 = arith.constant 0 : i32
            %dma_start3A_157 = arith.constant 0 : i32
            %dma_start3A_158 = tpu.memref_slice %arg6[%rem3A_60, %dma_start3A_155, %dma_start3A_156, %dma_start3A_157] : memref<2x4x2x100xi32, #tpu.memory_space<vmem>> -> memref<1x4x2x100xi32, #tpu.memory_space<vmem>>
            %dma_start3A_159 = tpu.memref_squeeze %dma_start3A_158 : memref<1x4x2x100xi32, #tpu.memory_space<vmem>> -> memref<4x2x100xi32, #tpu.memory_space<vmem>>
            %dma_start3A_160 = arith.constant 0 : i32
            %dma_start3A_161 = arith.constant 0 : i32
            %dma_start3A_162 = tpu.memref_slice %arg2[%add3A, %mul3A_153, %dma_start3A_160, %dma_start3A_161] : memref<32x32x2x100xi32, #tpu.memory_space<hbm>> -> memref<1x4x2x100xi32, #tpu.memory_space<hbm>>
            %dma_start3A_163 = tpu.memref_squeeze %dma_start3A_162 : memref<1x4x2x100xi32, #tpu.memory_space<hbm>> -> memref<4x2x100xi32, #tpu.memory_space<hbm>>
            %dma_start3A_164 = arith.constant 0 : i32
            %dma_start3A_165 = arith.constant 0 : i32
            %dma_start3A_166 = arith.constant 0 : i32
            %dma_start3A_167 = tpu.memref_slice %arg6[%rem3A_60, %dma_start3A_164, %dma_start3A_165, %dma_start3A_166] : memref<2x4x2x100xi32, #tpu.memory_space<vmem>> -> memref<1x4x2x100xi32, #tpu.memory_space<vmem>>
            %dma_start3A_168 = tpu.memref_squeeze %dma_start3A_167 : memref<1x4x2x100xi32, #tpu.memory_space<vmem>> -> memref<4x2x100xi32, #tpu.memory_space<vmem>>
            %dma_start3A_169 = arith.constant 0 : i32
            %dma_start3A_170 = arith.constant 0 : i32
            %dma_start3A_171 = tpu.memref_slice %arg2[%add3A, %mul3A_153, %dma_start3A_169, %dma_start3A_170] : memref<32x32x2x100xi32, #tpu.memory_space<hbm>> -> memref<1x4x2x100xi32, #tpu.memory_space<hbm>>
            %dma_start3A_172 = tpu.memref_squeeze %dma_start3A_171 : memref<1x4x2x100xi32, #tpu.memory_space<hbm>> -> memref<4x2x100xi32, #tpu.memory_space<hbm>>
            tpu.enqueue_dma source(%dma_start3A_172 : memref<4x2x100xi32, #tpu.memory_space<hbm>>) target(%dma_start3A_168 : memref<4x2x100xi32, #tpu.memory_space<vmem>>) target_semaphore(%run_scoped3A_154 : memref<!tpu.dma_semaphore, #tpu.memory_space<semaphore_mem>>)
            %dma_wait3A_173 = arith.constant 0 : i32
            %dma_wait3A_174 = arith.constant 0 : i32
            %dma_wait3A_175 = arith.constant 0 : i32
            %dma_wait3A_176 = tpu.memref_slice %arg6[%rem3A_60, %dma_wait3A_173, %dma_wait3A_174, %dma_wait3A_175] : memref<2x4x2x100xi32, #tpu.memory_space<vmem>> -> memref<1x4x2x100xi32, #tpu.memory_space<vmem>>
            %dma_wait3A_177 = tpu.memref_squeeze %dma_wait3A_176 : memref<1x4x2x100xi32, #tpu.memory_space<vmem>> -> memref<4x2x100xi32, #tpu.memory_space<vmem>>
            %dma_wait3A_178 = arith.constant 0 : i32
            %dma_wait3A_179 = arith.constant 0 : i32
            %dma_wait3A_180 = tpu.memref_slice %arg2[%add3A, %mul3A_153, %dma_wait3A_178, %dma_wait3A_179] : memref<32x32x2x100xi32, #tpu.memory_space<hbm>> -> memref<1x4x2x100xi32, #tpu.memory_space<hbm>>
            %dma_wait3A_181 = tpu.memref_squeeze %dma_wait3A_180 : memref<1x4x2x100xi32, #tpu.memory_space<hbm>> -> memref<4x2x100xi32, #tpu.memory_space<hbm>>
            %dma_wait3A_182 = arith.constant 0 : i32
            %dma_wait3A_183 = arith.constant 0 : i32
            %dma_wait3A_184 = arith.constant 0 : i32
            %dma_wait3A_185 = tpu.memref_slice %arg6[%rem3A_60, %dma_wait3A_182, %dma_wait3A_183, %dma_wait3A_184] : memref<2x4x2x100xi32, #tpu.memory_space<vmem>> -> memref<1x4x2x100xi32, #tpu.memory_space<vmem>>
            %dma_wait3A_186 = tpu.memref_squeeze %dma_wait3A_185 : memref<1x4x2x100xi32, #tpu.memory_space<vmem>> -> memref<4x2x100xi32, #tpu.memory_space<vmem>>
            %dma_wait3A_187 = arith.constant 0 : i32
            %dma_wait3A_188 = arith.constant 0 : i32
            %dma_wait3A_189 = tpu.memref_slice %arg2[%add3A, %mul3A_153, %dma_wait3A_187, %dma_wait3A_188] : memref<32x32x2x100xi32, #tpu.memory_space<hbm>> -> memref<1x4x2x100xi32, #tpu.memory_space<hbm>>
            %dma_wait3A_190 = tpu.memref_squeeze %dma_wait3A_189 : memref<1x4x2x100xi32, #tpu.memory_space<hbm>> -> memref<4x2x100xi32, #tpu.memory_space<hbm>>
            tpu.wait_dma2 semaphore(%run_scoped3A_154 : memref<!tpu.dma_semaphore, #tpu.memory_space<semaphore_mem>>) src(%dma_wait3A_190 : memref<4x2x100xi32, #tpu.memory_space<hbm>>) dst(%dma_wait3A_186 : memref<4x2x100xi32, #tpu.memory_space<vmem>>)
            tpu.yield
          }) : () -> ()
        } else {
        }
        %ge3A_68 = arith.constant 2 : i32
        %ge3A_69 = arith.cmpi sge, %scan3A_48, %ge3A_68 : i32
        %convert_element_type3A_70 = arith.extui %ge3A_69 : i1 to i32
        %cond3A_71 = arith.constant 0 : i32
        %cond3A_72 = arith.cmpi ne, %convert_element_type3A_70, %cond3A_71 : i32
        scf.if %cond3A_72 {
          %dma_wait3A_152 = arith.constant 0 : i32
          %dma_wait3A_153 = arith.constant 0 : i32
          %dma_wait3A_154 = arith.constant 0 : i32
          %dma_wait3A_155 = tpu.memref_slice %arg8[%rem3A_57, %dma_wait3A_152, %dma_wait3A_153, %dma_wait3A_154] : memref<2x2x200x128xf32, #tpu.memory_space<vmem>> -> memref<1x2x200x128xf32, #tpu.memory_space<vmem>>
          %dma_wait3A_156 = tpu.memref_squeeze %dma_wait3A_155 : memref<1x2x200x128xf32, #tpu.memory_space<vmem>> -> memref<2x200x128xf32, #tpu.memory_space<vmem>>
          %dma_wait3A_157 = arith.constant 0 : i32
          %dma_wait3A_158 = arith.constant 0 : i32
          %dma_wait3A_159 = tpu.memref_slice %arg5[%mul3A_2, %dma_wait3A_157, %dma_wait3A_158] : memref<1024x200x128xf32, #tpu.memory_space<hbm>> -> memref<2x200x128xf32, #tpu.memory_space<hbm>>
          %dma_wait3A_160 = tpu.memref_slice %arg10[%rem3A_57] : memref<2x!tpu.dma_semaphore, #tpu.memory_space<semaphore_mem>> -> memref<1x!tpu.dma_semaphore, #tpu.memory_space<semaphore_mem>>
          %dma_wait3A_161 = tpu.memref_squeeze %dma_wait3A_160 : memref<1x!tpu.dma_semaphore, #tpu.memory_space<semaphore_mem>> -> memref<!tpu.dma_semaphore, #tpu.memory_space<semaphore_mem>>
          %dma_wait3A_162 = arith.constant 0 : i32
          %dma_wait3A_163 = arith.constant 0 : i32
          %dma_wait3A_164 = tpu.memref_slice %arg5[%mul3A_2, %dma_wait3A_162, %dma_wait3A_163] : memref<1024x200x128xf32, #tpu.memory_space<hbm>> -> memref<2x200x128xf32, #tpu.memory_space<hbm>>
          %dma_wait3A_165 = arith.constant 0 : i32
          %dma_wait3A_166 = arith.constant 0 : i32
          %dma_wait3A_167 = arith.constant 0 : i32
          %dma_wait3A_168 = tpu.memref_slice %arg8[%rem3A_57, %dma_wait3A_165, %dma_wait3A_166, %dma_wait3A_167] : memref<2x2x200x128xf32, #tpu.memory_space<vmem>> -> memref<1x2x200x128xf32, #tpu.memory_space<vmem>>
          %dma_wait3A_169 = tpu.memref_squeeze %dma_wait3A_168 : memref<1x2x200x128xf32, #tpu.memory_space<vmem>> -> memref<2x200x128xf32, #tpu.memory_space<vmem>>
          tpu.wait_dma2 semaphore(%dma_wait3A_161 : memref<!tpu.dma_semaphore, #tpu.memory_space<semaphore_mem>>) src(%dma_wait3A_169 : memref<2x200x128xf32, #tpu.memory_space<vmem>>) dst(%dma_wait3A_164 : memref<2x200x128xf32, #tpu.memory_space<hbm>>)
        } else {
        }
        %rem3A_73 = arith.constant 2 : i32
        %rem3A_74 = arith.remsi %scan3A_48, %rem3A_73 : i32
        %mul3A_75 = arith.constant 2 : i32
        %mul3A_76 = arith.muli %mul3A_75, %scan3A_48 : i32
        %add3A_77 = arith.constant 0 : i32
        %add3A_78 = arith.addi %mul3A_76, %add3A_77 : i32
        %div3A_79 = arith.constant 4 : i32
        %div3A_80 = arith.divsi %add3A_78, %div3A_79 : i32
        %rem3A_81 = arith.constant 2 : i32
        %rem3A_82 = arith.remsi %div3A_80, %rem3A_81 : i32
        %rem3A_83 = arith.constant 4 : i32
        %rem3A_84 = arith.remsi %add3A_78, %rem3A_83 : i32
        %dma_start3A = arith.constant 0 : i32
        %dma_start3A_85 = arith.constant 0 : i32
        %dma_start3A_86 = arith.constant 0 : i32
        %dma_start3A_87 = arith.constant 0 : i32
        %dma_start3A_88 = tpu.memref_slice %arg8[%rem3A_74, %dma_start3A_85, %dma_start3A_86, %dma_start3A_87] : memref<2x2x200x128xf32, #tpu.memory_space<vmem>> -> memref<1x1x100x128xf32, #tpu.memory_space<vmem>>
        %dma_start3A_89 = tpu.memref_squeeze %dma_start3A_88 : memref<1x1x100x128xf32, #tpu.memory_space<vmem>> -> memref<100x128xf32, #tpu.memory_space<vmem>>
        %dma_start3A_90 = arith.constant 0 : i32
        %dma_start3A_91 = tpu.memref_slice %arg6[%rem3A_82, %rem3A_84, %dma_start3A, %dma_start3A_90] : memref<2x4x2x100xi32, #tpu.memory_space<vmem>> -> memref<1x1x1x100xi32, #tpu.memory_space<vmem>>
        %dma_start3A_92 = tpu.memref_squeeze %dma_start3A_91 : memref<1x1x1x100xi32, #tpu.memory_space<vmem>> -> memref<100xi32, #tpu.memory_space<vmem>>
        %dma_start3A_93 = arith.constant 0 : i32
        %dma_start3A_94 = arith.constant 0 : i32
        %dma_start3A_95 = tpu.memref_slice %arg3[%dma_start3A_93, %dma_start3A_94] : memref<100000x128xf32, #tpu.memory_space<hbm>> -> memref<100000x128xf32, #tpu.memory_space<hbm>>
        %dma_start3A_96 = tpu.memref_slice %arg9[%rem3A_74] : memref<2x!tpu.dma_semaphore, #tpu.memory_space<semaphore_mem>> -> memref<1x!tpu.dma_semaphore, #tpu.memory_space<semaphore_mem>>
        %dma_start3A_97 = tpu.memref_squeeze %dma_start3A_96 : memref<1x!tpu.dma_semaphore, #tpu.memory_space<semaphore_mem>> -> memref<!tpu.dma_semaphore, #tpu.memory_space<semaphore_mem>>
        tpu.enqueue_indirect_dma source(%dma_start3A_95 : memref<100000x128xf32, #tpu.memory_space<hbm>>) target(%dma_start3A_89 : memref<100x128xf32, #tpu.memory_space<vmem>>) offsets(%dma_start3A_92 : memref<100xi32, #tpu.memory_space<vmem>>) semaphore(%dma_start3A_97 : memref<!tpu.dma_semaphore, #tpu.memory_space<semaphore_mem>>)
        %dma_start3A_98 = arith.constant 1 : i32
        %dma_start3A_99 = arith.constant 0 : i32
        %dma_start3A_100 = arith.constant 100 : i32
        %dma_start3A_101 = arith.constant 0 : i32
        %dma_start3A_102 = tpu.memref_slice %arg8[%rem3A_74, %dma_start3A_99, %dma_start3A_100, %dma_start3A_101] : memref<2x2x200x128xf32, #tpu.memory_space<vmem>> -> memref<1x1x100x128xf32, #tpu.memory_space<vmem>>
        %dma_start3A_103 = tpu.memref_squeeze %dma_start3A_102 : memref<1x1x100x128xf32, #tpu.memory_space<vmem>> -> memref<100x128xf32, #tpu.memory_space<vmem>>
        %dma_start3A_104 = arith.constant 0 : i32
        %dma_start3A_105 = tpu.memref_slice %arg6[%rem3A_82, %rem3A_84, %dma_start3A_98, %dma_start3A_104] : memref<2x4x2x100xi32, #tpu.memory_space<vmem>> -> memref<1x1x1x100xi32, #tpu.memory_space<vmem>>
        %dma_start3A_106 = tpu.memref_squeeze %dma_start3A_105 : memref<1x1x1x100xi32, #tpu.memory_space<vmem>> -> memref<100xi32, #tpu.memory_space<vmem>>
        %dma_start3A_107 = arith.constant 0 : i32
        %dma_start3A_108 = arith.constant 0 : i32
        %dma_start3A_109 = tpu.memref_slice %arg3[%dma_start3A_107, %dma_start3A_108] : memref<100000x128xf32, #tpu.memory_space<hbm>> -> memref<100000x128xf32, #tpu.memory_space<hbm>>
        %dma_start3A_110 = tpu.memref_slice %arg9[%rem3A_74] : memref<2x!tpu.dma_semaphore, #tpu.memory_space<semaphore_mem>> -> memref<1x!tpu.dma_semaphore, #tpu.memory_space<semaphore_mem>>
        %dma_start3A_111 = tpu.memref_squeeze %dma_start3A_110 : memref<1x!tpu.dma_semaphore, #tpu.memory_space<semaphore_mem>> -> memref<!tpu.dma_semaphore, #tpu.memory_space<semaphore_mem>>
        tpu.enqueue_indirect_dma source(%dma_start3A_109 : memref<100000x128xf32, #tpu.memory_space<hbm>>) target(%dma_start3A_103 : memref<100x128xf32, #tpu.memory_space<vmem>>) offsets(%dma_start3A_106 : memref<100xi32, #tpu.memory_space<vmem>>) semaphore(%dma_start3A_111 : memref<!tpu.dma_semaphore, #tpu.memory_space<semaphore_mem>>)
        %rem3A_112 = arith.constant 2 : i32
        %rem3A_113 = arith.remsi %scan3A_48, %rem3A_112 : i32
        %mul3A_114 = arith.constant 2 : i32
        %mul3A_115 = arith.muli %mul3A_114, %scan3A_48 : i32
        %add3A_116 = arith.constant 1 : i32
        %add3A_117 = arith.addi %mul3A_115, %add3A_116 : i32
        %div3A_118 = arith.constant 4 : i32
        %div3A_119 = arith.divsi %add3A_117, %div3A_118 : i32
        %rem3A_120 = arith.constant 2 : i32
        %rem3A_121 = arith.remsi %div3A_119, %rem3A_120 : i32
        %rem3A_122 = arith.constant 4 : i32
        %rem3A_123 = arith.remsi %add3A_117, %rem3A_122 : i32
        %dma_start3A_124 = arith.constant 0 : i32
        %dma_start3A_125 = arith.constant 1 : i32
        %dma_start3A_126 = arith.constant 0 : i32
        %dma_start3A_127 = arith.constant 0 : i32
        %dma_start3A_128 = tpu.memref_slice %arg8[%rem3A_113, %dma_start3A_125, %dma_start3A_126, %dma_start3A_127] : memref<2x2x200x128xf32, #tpu.memory_space<vmem>> -> memref<1x1x100x128xf32, #tpu.memory_space<vmem>>
        %dma_start3A_129 = tpu.memref_squeeze %dma_start3A_128 : memref<1x1x100x128xf32, #tpu.memory_space<vmem>> -> memref<100x128xf32, #tpu.memory_space<vmem>>
        %dma_start3A_130 = arith.constant 0 : i32
        %dma_start3A_131 = tpu.memref_slice %arg6[%rem3A_121, %rem3A_123, %dma_start3A_124, %dma_start3A_130] : memref<2x4x2x100xi32, #tpu.memory_space<vmem>> -> memref<1x1x1x100xi32, #tpu.memory_space<vmem>>
        %dma_start3A_132 = tpu.memref_squeeze %dma_start3A_131 : memref<1x1x1x100xi32, #tpu.memory_space<vmem>> -> memref<100xi32, #tpu.memory_space<vmem>>
        %dma_start3A_133 = arith.constant 0 : i32
        %dma_start3A_134 = arith.constant 0 : i32
        %dma_start3A_135 = tpu.memref_slice %arg3[%dma_start3A_133, %dma_start3A_134] : memref<100000x128xf32, #tpu.memory_space<hbm>> -> memref<100000x128xf32, #tpu.memory_space<hbm>>
        %dma_start3A_136 = tpu.memref_slice %arg9[%rem3A_113] : memref<2x!tpu.dma_semaphore, #tpu.memory_space<semaphore_mem>> -> memref<1x!tpu.dma_semaphore, #tpu.memory_space<semaphore_mem>>
        %dma_start3A_137 = tpu.memref_squeeze %dma_start3A_136 : memref<1x!tpu.dma_semaphore, #tpu.memory_space<semaphore_mem>> -> memref<!tpu.dma_semaphore, #tpu.memory_space<semaphore_mem>>
        tpu.enqueue_indirect_dma source(%dma_start3A_135 : memref<100000x128xf32, #tpu.memory_space<hbm>>) target(%dma_start3A_129 : memref<100x128xf32, #tpu.memory_space<vmem>>) offsets(%dma_start3A_132 : memref<100xi32, #tpu.memory_space<vmem>>) semaphore(%dma_start3A_137 : memref<!tpu.dma_semaphore, #tpu.memory_space<semaphore_mem>>)
        %dma_start3A_138 = arith.constant 1 : i32
        %dma_start3A_139 = arith.constant 1 : i32
        %dma_start3A_140 = arith.constant 100 : i32
        %dma_start3A_141 = arith.constant 0 : i32
        %dma_start3A_142 = tpu.memref_slice %arg8[%rem3A_113, %dma_start3A_139, %dma_start3A_140, %dma_start3A_141] : memref<2x2x200x128xf32, #tpu.memory_space<vmem>> -> memref<1x1x100x128xf32, #tpu.memory_space<vmem>>
        %dma_start3A_143 = tpu.memref_squeeze %dma_start3A_142 : memref<1x1x100x128xf32, #tpu.memory_space<vmem>> -> memref<100x128xf32, #tpu.memory_space<vmem>>
        %dma_start3A_144 = arith.constant 0 : i32
        %dma_start3A_145 = tpu.memref_slice %arg6[%rem3A_121, %rem3A_123, %dma_start3A_138, %dma_start3A_144] : memref<2x4x2x100xi32, #tpu.memory_space<vmem>> -> memref<1x1x1x100xi32, #tpu.memory_space<vmem>>
        %dma_start3A_146 = tpu.memref_squeeze %dma_start3A_145 : memref<1x1x1x100xi32, #tpu.memory_space<vmem>> -> memref<100xi32, #tpu.memory_space<vmem>>
        %dma_start3A_147 = arith.constant 0 : i32
        %dma_start3A_148 = arith.constant 0 : i32
        %dma_start3A_149 = tpu.memref_slice %arg3[%dma_start3A_147, %dma_start3A_148] : memref<100000x128xf32, #tpu.memory_space<hbm>> -> memref<100000x128xf32, #tpu.memory_space<hbm>>
        %dma_start3A_150 = tpu.memref_slice %arg9[%rem3A_113] : memref<2x!tpu.dma_semaphore, #tpu.memory_space<semaphore_mem>> -> memref<1x!tpu.dma_semaphore, #tpu.memory_space<semaphore_mem>>
        %dma_start3A_151 = tpu.memref_squeeze %dma_start3A_150 : memref<1x!tpu.dma_semaphore, #tpu.memory_space<semaphore_mem>> -> memref<!tpu.dma_semaphore, #tpu.memory_space<semaphore_mem>>
        tpu.enqueue_indirect_dma source(%dma_start3A_149 : memref<100000x128xf32, #tpu.memory_space<hbm>>) target(%dma_start3A_143 : memref<100x128xf32, #tpu.memory_space<vmem>>) offsets(%dma_start3A_146 : memref<100xi32, #tpu.memory_space<vmem>>) semaphore(%dma_start3A_151 : memref<!tpu.dma_semaphore, #tpu.memory_space<semaphore_mem>>)
      } else {
      }
      %ge3A = arith.constant 1 : i32
      %ge3A_52 = arith.cmpi sge, %scan3A_48, %ge3A : i32
      %convert_element_type3A_53 = arith.extui %ge3A_52 : i1 to i32
      %cond3A_54 = arith.constant 0 : i32
      %cond3A_55 = arith.cmpi ne, %convert_element_type3A_53, %cond3A_54 : i32
      scf.if %cond3A_55 {
        %sub3A = arith.constant 1 : i32
        %sub3A_57 = arith.subi %scan3A_48, %sub3A : i32
        %rem3A = arith.constant 2 : i32
        %rem3A_58 = arith.remsi %sub3A_57, %rem3A : i32
        %dma_wait3A_59 = arith.constant 0 : i32
        %dma_wait3A_60 = arith.constant 0 : i32
        %dma_wait3A_61 = arith.constant 0 : i32
        %dma_wait3A_62 = tpu.memref_slice %arg8[%rem3A_58, %dma_wait3A_59, %dma_wait3A_60, %dma_wait3A_61] : memref<2x2x200x128xf32, #tpu.memory_space<vmem>> -> memref<1x2x200x128xf32, #tpu.memory_space<vmem>>
        %dma_wait3A_63 = tpu.memref_squeeze %dma_wait3A_62 : memref<1x2x200x128xf32, #tpu.memory_space<vmem>> -> memref<2x200x128xf32, #tpu.memory_space<vmem>>
        %dma_wait3A_64 = arith.constant 0 : i32
        %dma_wait3A_65 = arith.constant 0 : i32
        %dma_wait3A_66 = tpu.memref_slice %arg5[%mul3A_2, %dma_wait3A_64, %dma_wait3A_65] : memref<1024x200x128xf32, #tpu.memory_space<hbm>> -> memref<2x200x128xf32, #tpu.memory_space<hbm>>
        %dma_wait3A_67 = tpu.memref_slice %arg9[%rem3A_58] : memref<2x!tpu.dma_semaphore, #tpu.memory_space<semaphore_mem>> -> memref<1x!tpu.dma_semaphore, #tpu.memory_space<semaphore_mem>>
        %dma_wait3A_68 = tpu.memref_squeeze %dma_wait3A_67 : memref<1x!tpu.dma_semaphore, #tpu.memory_space<semaphore_mem>> -> memref<!tpu.dma_semaphore, #tpu.memory_space<semaphore_mem>>
        %dma_wait3A_69 = arith.constant 0 : i32
        %dma_wait3A_70 = arith.constant 0 : i32
        %dma_wait3A_71 = arith.constant 0 : i32
        %dma_wait3A_72 = tpu.memref_slice %arg8[%rem3A_58, %dma_wait3A_69, %dma_wait3A_70, %dma_wait3A_71] : memref<2x2x200x128xf32, #tpu.memory_space<vmem>> -> memref<1x2x200x128xf32, #tpu.memory_space<vmem>>
        %dma_wait3A_73 = tpu.memref_squeeze %dma_wait3A_72 : memref<1x2x200x128xf32, #tpu.memory_space<vmem>> -> memref<2x200x128xf32, #tpu.memory_space<vmem>>
        %dma_wait3A_74 = arith.constant 0 : i32
        %dma_wait3A_75 = arith.constant 0 : i32
        %dma_wait3A_76 = tpu.memref_slice %arg5[%mul3A_2, %dma_wait3A_74, %dma_wait3A_75] : memref<1024x200x128xf32, #tpu.memory_space<hbm>> -> memref<2x200x128xf32, #tpu.memory_space<hbm>>
        tpu.wait_dma2 semaphore(%dma_wait3A_68 : memref<!tpu.dma_semaphore, #tpu.memory_space<semaphore_mem>>) src(%dma_wait3A_76 : memref<2x200x128xf32, #tpu.memory_space<hbm>>) dst(%dma_wait3A_73 : memref<2x200x128xf32, #tpu.memory_space<vmem>>)
        %scan3A_77 = arith.constant 0 : i32
        %scan3A_78 = arith.constant 0 : i32
        %scan3A_79 = arith.constant 200 : i32
        %scan3A_80 = arith.addi %scan3A_78, %scan3A_79 : i32
        %scan3A_81 = arith.constant 2 : i32
        %scan3A_82 = scf.for %scan3A_106 = %scan3A_78 to %scan3A_80 step %scan3A_81 iter_args(%scan3A_107 = %scan3A_77) -> (i32)  : i32 {
          %get3A = arith.index_cast %scan3A_106 : i32 to index
          %get3A_108 = arith.constant 0 : index
          %get3A_109 = tpu.vector_load %arg7[%get3A, %get3A_108] {strides = array<i32>} : memref<200x128xf32, #tpu.memory_space<vmem>>, vector<1x16xf32>,
          %get3A_110 = vector.shape_cast %get3A_109 : vector<1x16xf32> to vector<16xf32>
          %get3A_111 = arith.index_cast %scan3A_106 : i32 to index
          %get3A_112 = arith.constant 16 : index
          %get3A_113 = tpu.vector_load %arg7[%get3A_111, %get3A_112] {strides = array<i32>} : memref<200x128xf32, #tpu.memory_space<vmem>>, vector<1x16xf32>,
          %get3A_114 = vector.shape_cast %get3A_113 : vector<1x16xf32> to vector<16xf32>
          %get3A_115 = arith.index_cast %scan3A_106 : i32 to index
          %get3A_116 = arith.constant 32 : index
          %get3A_117 = tpu.vector_load %arg7[%get3A_115, %get3A_116] {strides = array<i32>} : memref<200x128xf32, #tpu.memory_space<vmem>>, vector<1x16xf32>,
          %get3A_118 = vector.shape_cast %get3A_117 : vector<1x16xf32> to vector<16xf32>
          %get3A_119 = arith.index_cast %scan3A_106 : i32 to index
          %get3A_120 = arith.constant 48 : index
          %get3A_121 = tpu.vector_load %arg7[%get3A_119, %get3A_120] {strides = array<i32>} : memref<200x128xf32, #tpu.memory_space<vmem>>, vector<1x16xf32>,
          %get3A_122 = vector.shape_cast %get3A_121 : vector<1x16xf32> to vector<16xf32>
          %get3A_123 = arith.index_cast %scan3A_106 : i32 to index
          %get3A_124 = arith.constant 64 : index
          %get3A_125 = tpu.vector_load %arg7[%get3A_123, %get3A_124] {strides = array<i32>} : memref<200x128xf32, #tpu.memory_space<vmem>>, vector<1x16xf32>,
          %get3A_126 = vector.shape_cast %get3A_125 : vector<1x16xf32> to vector<16xf32>
          %get3A_127 = arith.index_cast %scan3A_106 : i32 to index
          %get3A_128 = arith.constant 80 : index
          %get3A_129 = tpu.vector_load %arg7[%get3A_127, %get3A_128] {strides = array<i32>} : memref<200x128xf32, #tpu.memory_space<vmem>>, vector<1x16xf32>,
          %get3A_130 = vector.shape_cast %get3A_129 : vector<1x16xf32> to vector<16xf32>
          %get3A_131 = arith.index_cast %scan3A_106 : i32 to index
          %get3A_132 = arith.constant 96 : index
          %get3A_133 = tpu.vector_load %arg7[%get3A_131, %get3A_132] {strides = array<i32>} : memref<200x128xf32, #tpu.memory_space<vmem>>, vector<1x16xf32>,
          %get3A_134 = vector.shape_cast %get3A_133 : vector<1x16xf32> to vector<16xf32>
          %get3A_135 = arith.index_cast %scan3A_106 : i32 to index
          %get3A_136 = arith.constant 112 : index
          %get3A_137 = tpu.vector_load %arg7[%get3A_135, %get3A_136] {strides = array<i32>} : memref<200x128xf32, #tpu.memory_space<vmem>>, vector<1x16xf32>,
          %get3A_138 = vector.shape_cast %get3A_137 : vector<1x16xf32> to vector<16xf32>
          %swap3A = arith.constant 0 : i32
          %swap3A_139 = arith.index_cast %rem3A_58 : i32 to index
          %swap3A_140 = arith.index_cast %swap3A : i32 to index
          %swap3A_141 = arith.index_cast %scan3A_106 : i32 to index
          %swap3A_142 = arith.constant 0 : index
          %swap3A_143 = tpu.vector_load %arg8[%swap3A_139, %swap3A_140, %swap3A_141, %swap3A_142] {strides = array<i32>} : memref<2x2x200x128xf32, #tpu.memory_space<vmem>>, vector<1x1x1x16xf32>,
          %swap3A_144 = vector.shape_cast %swap3A_143 : vector<1x1x1x16xf32> to vector<16xf32>
          %swap3A_145 = vector.shape_cast %get3A_110 : vector<16xf32> to vector<1x1x1x16xf32>
          tpu.vector_store %arg8[%swap3A_139, %swap3A_140, %swap3A_141, %swap3A_142], %swap3A_145 {add = true, strides = array<i32>} : memref<2x2x200x128xf32, #tpu.memory_space<vmem>>, vector<1x1x1x16xf32>,
          %swap3A_146 = arith.constant 0 : i32
          %swap3A_147 = arith.index_cast %rem3A_58 : i32 to index
          %swap3A_148 = arith.index_cast %swap3A_146 : i32 to index
          %swap3A_149 = arith.index_cast %scan3A_106 : i32 to index
          %swap3A_150 = arith.constant 16 : index
          %swap3A_151 = tpu.vector_load %arg8[%swap3A_147, %swap3A_148, %swap3A_149, %swap3A_150] {strides = array<i32>} : memref<2x2x200x128xf32, #tpu.memory_space<vmem>>, vector<1x1x1x16xf32>,
          %swap3A_152 = vector.shape_cast %swap3A_151 : vector<1x1x1x16xf32> to vector<16xf32>
          %swap3A_153 = vector.shape_cast %get3A_114 : vector<16xf32> to vector<1x1x1x16xf32>
          tpu.vector_store %arg8[%swap3A_147, %swap3A_148, %swap3A_149, %swap3A_150], %swap3A_153 {add = true, strides = array<i32>} : memref<2x2x200x128xf32, #tpu.memory_space<vmem>>, vector<1x1x1x16xf32>,
          %swap3A_154 = arith.constant 0 : i32
          %swap3A_155 = arith.index_cast %rem3A_58 : i32 to index
          %swap3A_156 = arith.index_cast %swap3A_154 : i32 to index
          %swap3A_157 = arith.index_cast %scan3A_106 : i32 to index
          %swap3A_158 = arith.constant 32 : index
          %swap3A_159 = tpu.vector_load %arg8[%swap3A_155, %swap3A_156, %swap3A_157, %swap3A_158] {strides = array<i32>} : memref<2x2x200x128xf32, #tpu.memory_space<vmem>>, vector<1x1x1x16xf32>,
          %swap3A_160 = vector.shape_cast %swap3A_159 : vector<1x1x1x16xf32> to vector<16xf32>
          %swap3A_161 = vector.shape_cast %get3A_118 : vector<16xf32> to vector<1x1x1x16xf32>
          tpu.vector_store %arg8[%swap3A_155, %swap3A_156, %swap3A_157, %swap3A_158], %swap3A_161 {add = true, strides = array<i32>} : memref<2x2x200x128xf32, #tpu.memory_space<vmem>>, vector<1x1x1x16xf32>,
          %swap3A_162 = arith.constant 0 : i32
          %swap3A_163 = arith.index_cast %rem3A_58 : i32 to index
          %swap3A_164 = arith.index_cast %swap3A_162 : i32 to index
          %swap3A_165 = arith.index_cast %scan3A_106 : i32 to index
          %swap3A_166 = arith.constant 48 : index
          %swap3A_167 = tpu.vector_load %arg8[%swap3A_163, %swap3A_164, %swap3A_165, %swap3A_166] {strides = array<i32>} : memref<2x2x200x128xf32, #tpu.memory_space<vmem>>, vector<1x1x1x16xf32>,
          %swap3A_168 = vector.shape_cast %swap3A_167 : vector<1x1x1x16xf32> to vector<16xf32>
          %swap3A_169 = vector.shape_cast %get3A_122 : vector<16xf32> to vector<1x1x1x16xf32>
          tpu.vector_store %arg8[%swap3A_163, %swap3A_164, %swap3A_165, %swap3A_166], %swap3A_169 {add = true, strides = array<i32>} : memref<2x2x200x128xf32, #tpu.memory_space<vmem>>, vector<1x1x1x16xf32>,
          %swap3A_170 = arith.constant 0 : i32
          %swap3A_171 = arith.index_cast %rem3A_58 : i32 to index
          %swap3A_172 = arith.index_cast %swap3A_170 : i32 to index
          %swap3A_173 = arith.index_cast %scan3A_106 : i32 to index
          %swap3A_174 = arith.constant 64 : index
          %swap3A_175 = tpu.vector_load %arg8[%swap3A_171, %swap3A_172, %swap3A_173, %swap3A_174] {strides = array<i32>} : memref<2x2x200x128xf32, #tpu.memory_space<vmem>>, vector<1x1x1x16xf32>,
          %swap3A_176 = vector.shape_cast %swap3A_175 : vector<1x1x1x16xf32> to vector<16xf32>
          %swap3A_177 = vector.shape_cast %get3A_126 : vector<16xf32> to vector<1x1x1x16xf32>
          tpu.vector_store %arg8[%swap3A_171, %swap3A_172, %swap3A_173, %swap3A_174], %swap3A_177 {add = true, strides = array<i32>} : memref<2x2x200x128xf32, #tpu.memory_space<vmem>>, vector<1x1x1x16xf32>,
          %swap3A_178 = arith.constant 0 : i32
          %swap3A_179 = arith.index_cast %rem3A_58 : i32 to index
          %swap3A_180 = arith.index_cast %swap3A_178 : i32 to index
          %swap3A_181 = arith.index_cast %scan3A_106 : i32 to index
          %swap3A_182 = arith.constant 80 : index
          %swap3A_183 = tpu.vector_load %arg8[%swap3A_179, %swap3A_180, %swap3A_181, %swap3A_182] {strides = array<i32>} : memref<2x2x200x128xf32, #tpu.memory_space<vmem>>, vector<1x1x1x16xf32>,
          %swap3A_184 = vector.shape_cast %swap3A_183 : vector<1x1x1x16xf32> to vector<16xf32>
          %swap3A_185 = vector.shape_cast %get3A_130 : vector<16xf32> to vector<1x1x1x16xf32>
          tpu.vector_store %arg8[%swap3A_179, %swap3A_180, %swap3A_181, %swap3A_182], %swap3A_185 {add = true, strides = array<i32>} : memref<2x2x200x128xf32, #tpu.memory_space<vmem>>, vector<1x1x1x16xf32>,
          %swap3A_186 = arith.constant 0 : i32
          %swap3A_187 = arith.index_cast %rem3A_58 : i32 to index
          %swap3A_188 = arith.index_cast %swap3A_186 : i32 to index
          %swap3A_189 = arith.index_cast %scan3A_106 : i32 to index
          %swap3A_190 = arith.constant 96 : index
          %swap3A_191 = tpu.vector_load %arg8[%swap3A_187, %swap3A_188, %swap3A_189, %swap3A_190] {strides = array<i32>} : memref<2x2x200x128xf32, #tpu.memory_space<vmem>>, vector<1x1x1x16xf32>,
          %swap3A_192 = vector.shape_cast %swap3A_191 : vector<1x1x1x16xf32> to vector<16xf32>
          %swap3A_193 = vector.shape_cast %get3A_134 : vector<16xf32> to vector<1x1x1x16xf32>
          tpu.vector_store %arg8[%swap3A_187, %swap3A_188, %swap3A_189, %swap3A_190], %swap3A_193 {add = true, strides = array<i32>} : memref<2x2x200x128xf32, #tpu.memory_space<vmem>>, vector<1x1x1x16xf32>,
          %swap3A_194 = arith.constant 0 : i32
          %swap3A_195 = arith.index_cast %rem3A_58 : i32 to index
          %swap3A_196 = arith.index_cast %swap3A_194 : i32 to index
          %swap3A_197 = arith.index_cast %scan3A_106 : i32 to index
          %swap3A_198 = arith.constant 112 : index
          %swap3A_199 = tpu.vector_load %arg8[%swap3A_195, %swap3A_196, %swap3A_197, %swap3A_198] {strides = array<i32>} : memref<2x2x200x128xf32, #tpu.memory_space<vmem>>, vector<1x1x1x16xf32>,
          %swap3A_200 = vector.shape_cast %swap3A_199 : vector<1x1x1x16xf32> to vector<16xf32>
          %swap3A_201 = vector.shape_cast %get3A_138 : vector<16xf32> to vector<1x1x1x16xf32>
          tpu.vector_store %arg8[%swap3A_195, %swap3A_196, %swap3A_197, %swap3A_198], %swap3A_201 {add = true, strides = array<i32>} : memref<2x2x200x128xf32, #tpu.memory_space<vmem>>, vector<1x1x1x16xf32>,
          %swap3A_202 = arith.constant 1 : i32
          %swap3A_203 = arith.index_cast %rem3A_58 : i32 to index
          %swap3A_204 = arith.index_cast %swap3A_202 : i32 to index
          %swap3A_205 = arith.index_cast %scan3A_106 : i32 to index
          %swap3A_206 = arith.constant 0 : index
          %swap3A_207 = tpu.vector_load %arg8[%swap3A_203, %swap3A_204, %swap3A_205, %swap3A_206] {strides = array<i32>} : memref<2x2x200x128xf32, #tpu.memory_space<vmem>>, vector<1x1x1x16xf32>,
          %swap3A_208 = vector.shape_cast %swap3A_207 : vector<1x1x1x16xf32> to vector<16xf32>
          %swap3A_209 = vector.shape_cast %get3A_110 : vector<16xf32> to vector<1x1x1x16xf32>
          tpu.vector_store %arg8[%swap3A_203, %swap3A_204, %swap3A_205, %swap3A_206], %swap3A_209 {add = true, strides = array<i32>} : memref<2x2x200x128xf32, #tpu.memory_space<vmem>>, vector<1x1x1x16xf32>,
          %swap3A_210 = arith.constant 1 : i32
          %swap3A_211 = arith.index_cast %rem3A_58 : i32 to index
          %swap3A_212 = arith.index_cast %swap3A_210 : i32 to index
          %swap3A_213 = arith.index_cast %scan3A_106 : i32 to index
          %swap3A_214 = arith.constant 16 : index
          %swap3A_215 = tpu.vector_load %arg8[%swap3A_211, %swap3A_212, %swap3A_213, %swap3A_214] {strides = array<i32>} : memref<2x2x200x128xf32, #tpu.memory_space<vmem>>, vector<1x1x1x16xf32>,
          %swap3A_216 = vector.shape_cast %swap3A_215 : vector<1x1x1x16xf32> to vector<16xf32>
          %swap3A_217 = vector.shape_cast %get3A_114 : vector<16xf32> to vector<1x1x1x16xf32>
          tpu.vector_store %arg8[%swap3A_211, %swap3A_212, %swap3A_213, %swap3A_214], %swap3A_217 {add = true, strides = array<i32>} : memref<2x2x200x128xf32, #tpu.memory_space<vmem>>, vector<1x1x1x16xf32>,
          %swap3A_218 = arith.constant 1 : i32
          %swap3A_219 = arith.index_cast %rem3A_58 : i32 to index
          %swap3A_220 = arith.index_cast %swap3A_218 : i32 to index
          %swap3A_221 = arith.index_cast %scan3A_106 : i32 to index
          %swap3A_222 = arith.constant 32 : index
          %swap3A_223 = tpu.vector_load %arg8[%swap3A_219, %swap3A_220, %swap3A_221, %swap3A_222] {strides = array<i32>} : memref<2x2x200x128xf32, #tpu.memory_space<vmem>>, vector<1x1x1x16xf32>,
          %swap3A_224 = vector.shape_cast %swap3A_223 : vector<1x1x1x16xf32> to vector<16xf32>
          %swap3A_225 = vector.shape_cast %get3A_118 : vector<16xf32> to vector<1x1x1x16xf32>
          tpu.vector_store %arg8[%swap3A_219, %swap3A_220, %swap3A_221, %swap3A_222], %swap3A_225 {add = true, strides = array<i32>} : memref<2x2x200x128xf32, #tpu.memory_space<vmem>>, vector<1x1x1x16xf32>,
          %swap3A_226 = arith.constant 1 : i32
          %swap3A_227 = arith.index_cast %rem3A_58 : i32 to index
          %swap3A_228 = arith.index_cast %swap3A_226 : i32 to index
          %swap3A_229 = arith.index_cast %scan3A_106 : i32 to index
          %swap3A_230 = arith.constant 48 : index
          %swap3A_231 = tpu.vector_load %arg8[%swap3A_227, %swap3A_228, %swap3A_229, %swap3A_230] {strides = array<i32>} : memref<2x2x200x128xf32, #tpu.memory_space<vmem>>, vector<1x1x1x16xf32>,
          %swap3A_232 = vector.shape_cast %swap3A_231 : vector<1x1x1x16xf32> to vector<16xf32>
          %swap3A_233 = vector.shape_cast %get3A_122 : vector<16xf32> to vector<1x1x1x16xf32>
          tpu.vector_store %arg8[%swap3A_227, %swap3A_228, %swap3A_229, %swap3A_230], %swap3A_233 {add = true, strides = array<i32>} : memref<2x2x200x128xf32, #tpu.memory_space<vmem>>, vector<1x1x1x16xf32>,
          %swap3A_234 = arith.constant 1 : i32
          %swap3A_235 = arith.index_cast %rem3A_58 : i32 to index
          %swap3A_236 = arith.index_cast %swap3A_234 : i32 to index
          %swap3A_237 = arith.index_cast %scan3A_106 : i32 to index
          %swap3A_238 = arith.constant 64 : index
          %swap3A_239 = tpu.vector_load %arg8[%swap3A_235, %swap3A_236, %swap3A_237, %swap3A_238] {strides = array<i32>} : memref<2x2x200x128xf32, #tpu.memory_space<vmem>>, vector<1x1x1x16xf32>,
          %swap3A_240 = vector.shape_cast %swap3A_239 : vector<1x1x1x16xf32> to vector<16xf32>
          %swap3A_241 = vector.shape_cast %get3A_126 : vector<16xf32> to vector<1x1x1x16xf32>
          tpu.vector_store %arg8[%swap3A_235, %swap3A_236, %swap3A_237, %swap3A_238], %swap3A_241 {add = true, strides = array<i32>} : memref<2x2x200x128xf32, #tpu.memory_space<vmem>>, vector<1x1x1x16xf32>,
          %swap3A_242 = arith.constant 1 : i32
          %swap3A_243 = arith.index_cast %rem3A_58 : i32 to index
          %swap3A_244 = arith.index_cast %swap3A_242 : i32 to index
          %swap3A_245 = arith.index_cast %scan3A_106 : i32 to index
          %swap3A_246 = arith.constant 80 : index
          %swap3A_247 = tpu.vector_load %arg8[%swap3A_243, %swap3A_244, %swap3A_245, %swap3A_246] {strides = array<i32>} : memref<2x2x200x128xf32, #tpu.memory_space<vmem>>, vector<1x1x1x16xf32>,
          %swap3A_248 = vector.shape_cast %swap3A_247 : vector<1x1x1x16xf32> to vector<16xf32>
          %swap3A_249 = vector.shape_cast %get3A_130 : vector<16xf32> to vector<1x1x1x16xf32>
          tpu.vector_store %arg8[%swap3A_243, %swap3A_244, %swap3A_245, %swap3A_246], %swap3A_249 {add = true, strides = array<i32>} : memref<2x2x200x128xf32, #tpu.memory_space<vmem>>, vector<1x1x1x16xf32>,
          %swap3A_250 = arith.constant 1 : i32
          %swap3A_251 = arith.index_cast %rem3A_58 : i32 to index
          %swap3A_252 = arith.index_cast %swap3A_250 : i32 to index
          %swap3A_253 = arith.index_cast %scan3A_106 : i32 to index
          %swap3A_254 = arith.constant 96 : index
          %swap3A_255 = tpu.vector_load %arg8[%swap3A_251, %swap3A_252, %swap3A_253, %swap3A_254] {strides = array<i32>} : memref<2x2x200x128xf32, #tpu.memory_space<vmem>>, vector<1x1x1x16xf32>,
          %swap3A_256 = vector.shape_cast %swap3A_255 : vector<1x1x1x16xf32> to vector<16xf32>
          %swap3A_257 = vector.shape_cast %get3A_134 : vector<16xf32> to vector<1x1x1x16xf32>
          tpu.vector_store %arg8[%swap3A_251, %swap3A_252, %swap3A_253, %swap3A_254], %swap3A_257 {add = true, strides = array<i32>} : memref<2x2x200x128xf32, #tpu.memory_space<vmem>>, vector<1x1x1x16xf32>,
          %swap3A_258 = arith.constant 1 : i32
          %swap3A_259 = arith.index_cast %rem3A_58 : i32 to index
          %swap3A_260 = arith.index_cast %swap3A_258 : i32 to index
          %swap3A_261 = arith.index_cast %scan3A_106 : i32 to index
          %swap3A_262 = arith.constant 112 : index
          %swap3A_263 = tpu.vector_load %arg8[%swap3A_259, %swap3A_260, %swap3A_261, %swap3A_262] {strides = array<i32>} : memref<2x2x200x128xf32, #tpu.memory_space<vmem>>, vector<1x1x1x16xf32>,
          %swap3A_264 = vector.shape_cast %swap3A_263 : vector<1x1x1x16xf32> to vector<16xf32>
          %swap3A_265 = vector.shape_cast %get3A_138 : vector<16xf32> to vector<1x1x1x16xf32>
          tpu.vector_store %arg8[%swap3A_259, %swap3A_260, %swap3A_261, %swap3A_262], %swap3A_265 {add = true, strides = array<i32>} : memref<2x2x200x128xf32, #tpu.memory_space<vmem>>, vector<1x1x1x16xf32>,
          %scan3A_266 = arith.constant 0 : i32
          %scan3A_267 = arith.constant 1 : i32
          %scan3A_268 = arith.addi %scan3A_106, %scan3A_267 : i32
          %get3A_269 = arith.index_cast %scan3A_268 : i32 to index
          %get3A_270 = arith.constant 0 : index
          %get3A_271 = tpu.vector_load %arg7[%get3A_269, %get3A_270] {strides = array<i32>} : memref<200x128xf32, #tpu.memory_space<vmem>>, vector<1x16xf32>,
          %get3A_272 = vector.shape_cast %get3A_271 : vector<1x16xf32> to vector<16xf32>
          %get3A_273 = arith.index_cast %scan3A_268 : i32 to index
          %get3A_274 = arith.constant 16 : index
          %get3A_275 = tpu.vector_load %arg7[%get3A_273, %get3A_274] {strides = array<i32>} : memref<200x128xf32, #tpu.memory_space<vmem>>, vector<1x16xf32>,
          %get3A_276 = vector.shape_cast %get3A_275 : vector<1x16xf32> to vector<16xf32>
          %get3A_277 = arith.index_cast %scan3A_268 : i32 to index
          %get3A_278 = arith.constant 32 : index
          %get3A_279 = tpu.vector_load %arg7[%get3A_277, %get3A_278] {strides = array<i32>} : memref<200x128xf32, #tpu.memory_space<vmem>>, vector<1x16xf32>,
          %get3A_280 = vector.shape_cast %get3A_279 : vector<1x16xf32> to vector<16xf32>
          %get3A_281 = arith.index_cast %scan3A_268 : i32 to index
          %get3A_282 = arith.constant 48 : index
          %get3A_283 = tpu.vector_load %arg7[%get3A_281, %get3A_282] {strides = array<i32>} : memref<200x128xf32, #tpu.memory_space<vmem>>, vector<1x16xf32>,
          %get3A_284 = vector.shape_cast %get3A_283 : vector<1x16xf32> to vector<16xf32>
          %get3A_285 = arith.index_cast %scan3A_268 : i32 to index
          %get3A_286 = arith.constant 64 : index
          %get3A_287 = tpu.vector_load %arg7[%get3A_285, %get3A_286] {strides = array<i32>} : memref<200x128xf32, #tpu.memory_space<vmem>>, vector<1x16xf32>,
          %get3A_288 = vector.shape_cast %get3A_287 : vector<1x16xf32> to vector<16xf32>
          %get3A_289 = arith.index_cast %scan3A_268 : i32 to index
          %get3A_290 = arith.constant 80 : index
          %get3A_291 = tpu.vector_load %arg7[%get3A_289, %get3A_290] {strides = array<i32>} : memref<200x128xf32, #tpu.memory_space<vmem>>, vector<1x16xf32>,
          %get3A_292 = vector.shape_cast %get3A_291 : vector<1x16xf32> to vector<16xf32>
          %get3A_293 = arith.index_cast %scan3A_268 : i32 to index
          %get3A_294 = arith.constant 96 : index
          %get3A_295 = tpu.vector_load %arg7[%get3A_293, %get3A_294] {strides = array<i32>} : memref<200x128xf32, #tpu.memory_space<vmem>>, vector<1x16xf32>,
          %get3A_296 = vector.shape_cast %get3A_295 : vector<1x16xf32> to vector<16xf32>
          %get3A_297 = arith.index_cast %scan3A_268 : i32 to index
          %get3A_298 = arith.constant 112 : index
          %get3A_299 = tpu.vector_load %arg7[%get3A_297, %get3A_298] {strides = array<i32>} : memref<200x128xf32, #tpu.memory_space<vmem>>, vector<1x16xf32>,
          %get3A_300 = vector.shape_cast %get3A_299 : vector<1x16xf32> to vector<16xf32>
          %swap3A_301 = arith.constant 0 : i32
          %swap3A_302 = arith.index_cast %rem3A_58 : i32 to index
          %swap3A_303 = arith.index_cast %swap3A_301 : i32 to index
          %swap3A_304 = arith.index_cast %scan3A_268 : i32 to index
          %swap3A_305 = arith.constant 0 : index
          %swap3A_306 = tpu.vector_load %arg8[%swap3A_302, %swap3A_303, %swap3A_304, %swap3A_305] {strides = array<i32>} : memref<2x2x200x128xf32, #tpu.memory_space<vmem>>, vector<1x1x1x16xf32>,
          %swap3A_307 = vector.shape_cast %swap3A_306 : vector<1x1x1x16xf32> to vector<16xf32>
          %swap3A_308 = vector.shape_cast %get3A_272 : vector<16xf32> to vector<1x1x1x16xf32>
          tpu.vector_store %arg8[%swap3A_302, %swap3A_303, %swap3A_304, %swap3A_305], %swap3A_308 {add = true, strides = array<i32>} : memref<2x2x200x128xf32, #tpu.memory_space<vmem>>, vector<1x1x1x16xf32>,
          %swap3A_309 = arith.constant 0 : i32
          %swap3A_310 = arith.index_cast %rem3A_58 : i32 to index
          %swap3A_311 = arith.index_cast %swap3A_309 : i32 to index
          %swap3A_312 = arith.index_cast %scan3A_268 : i32 to index
          %swap3A_313 = arith.constant 16 : index
          %swap3A_314 = tpu.vector_load %arg8[%swap3A_310, %swap3A_311, %swap3A_312, %swap3A_313] {strides = array<i32>} : memref<2x2x200x128xf32, #tpu.memory_space<vmem>>, vector<1x1x1x16xf32>,
          %swap3A_315 = vector.shape_cast %swap3A_314 : vector<1x1x1x16xf32> to vector<16xf32>
          %swap3A_316 = vector.shape_cast %get3A_276 : vector<16xf32> to vector<1x1x1x16xf32>
          tpu.vector_store %arg8[%swap3A_310, %swap3A_311, %swap3A_312, %swap3A_313], %swap3A_316 {add = true, strides = array<i32>} : memref<2x2x200x128xf32, #tpu.memory_space<vmem>>, vector<1x1x1x16xf32>,
          %swap3A_317 = arith.constant 0 : i32
          %swap3A_318 = arith.index_cast %rem3A_58 : i32 to index
          %swap3A_319 = arith.index_cast %swap3A_317 : i32 to index
          %swap3A_320 = arith.index_cast %scan3A_268 : i32 to index
          %swap3A_321 = arith.constant 32 : index
          %swap3A_322 = tpu.vector_load %arg8[%swap3A_318, %swap3A_319, %swap3A_320, %swap3A_321] {strides = array<i32>} : memref<2x2x200x128xf32, #tpu.memory_space<vmem>>, vector<1x1x1x16xf32>,
          %swap3A_323 = vector.shape_cast %swap3A_322 : vector<1x1x1x16xf32> to vector<16xf32>
          %swap3A_324 = vector.shape_cast %get3A_280 : vector<16xf32> to vector<1x1x1x16xf32>
          tpu.vector_store %arg8[%swap3A_318, %swap3A_319, %swap3A_320, %swap3A_321], %swap3A_324 {add = true, strides = array<i32>} : memref<2x2x200x128xf32, #tpu.memory_space<vmem>>, vector<1x1x1x16xf32>,
          %swap3A_325 = arith.constant 0 : i32
          %swap3A_326 = arith.index_cast %rem3A_58 : i32 to index
          %swap3A_327 = arith.index_cast %swap3A_325 : i32 to index
          %swap3A_328 = arith.index_cast %scan3A_268 : i32 to index
          %swap3A_329 = arith.constant 48 : index
          %swap3A_330 = tpu.vector_load %arg8[%swap3A_326, %swap3A_327, %swap3A_328, %swap3A_329] {strides = array<i32>} : memref<2x2x200x128xf32, #tpu.memory_space<vmem>>, vector<1x1x1x16xf32>,
          %swap3A_331 = vector.shape_cast %swap3A_330 : vector<1x1x1x16xf32> to vector<16xf32>
          %swap3A_332 = vector.shape_cast %get3A_284 : vector<16xf32> to vector<1x1x1x16xf32>
          tpu.vector_store %arg8[%swap3A_326, %swap3A_327, %swap3A_328, %swap3A_329], %swap3A_332 {add = true, strides = array<i32>} : memref<2x2x200x128xf32, #tpu.memory_space<vmem>>, vector<1x1x1x16xf32>,
          %swap3A_333 = arith.constant 0 : i32
          %swap3A_334 = arith.index_cast %rem3A_58 : i32 to index
          %swap3A_335 = arith.index_cast %swap3A_333 : i32 to index
          %swap3A_336 = arith.index_cast %scan3A_268 : i32 to index
          %swap3A_337 = arith.constant 64 : index
          %swap3A_338 = tpu.vector_load %arg8[%swap3A_334, %swap3A_335, %swap3A_336, %swap3A_337] {strides = array<i32>} : memref<2x2x200x128xf32, #tpu.memory_space<vmem>>, vector<1x1x1x16xf32>,
          %swap3A_339 = vector.shape_cast %swap3A_338 : vector<1x1x1x16xf32> to vector<16xf32>
          %swap3A_340 = vector.shape_cast %get3A_288 : vector<16xf32> to vector<1x1x1x16xf32>
          tpu.vector_store %arg8[%swap3A_334, %swap3A_335, %swap3A_336, %swap3A_337], %swap3A_340 {add = true, strides = array<i32>} : memref<2x2x200x128xf32, #tpu.memory_space<vmem>>, vector<1x1x1x16xf32>,
          %swap3A_341 = arith.constant 0 : i32
          %swap3A_342 = arith.index_cast %rem3A_58 : i32 to index
          %swap3A_343 = arith.index_cast %swap3A_341 : i32 to index
          %swap3A_344 = arith.index_cast %scan3A_268 : i32 to index
          %swap3A_345 = arith.constant 80 : index
          %swap3A_346 = tpu.vector_load %arg8[%swap3A_342, %swap3A_343, %swap3A_344, %swap3A_345] {strides = array<i32>} : memref<2x2x200x128xf32, #tpu.memory_space<vmem>>, vector<1x1x1x16xf32>,
          %swap3A_347 = vector.shape_cast %swap3A_346 : vector<1x1x1x16xf32> to vector<16xf32>
          %swap3A_348 = vector.shape_cast %get3A_292 : vector<16xf32> to vector<1x1x1x16xf32>
          tpu.vector_store %arg8[%swap3A_342, %swap3A_343, %swap3A_344, %swap3A_345], %swap3A_348 {add = true, strides = array<i32>} : memref<2x2x200x128xf32, #tpu.memory_space<vmem>>, vector<1x1x1x16xf32>,
          %swap3A_349 = arith.constant 0 : i32
          %swap3A_350 = arith.index_cast %rem3A_58 : i32 to index
          %swap3A_351 = arith.index_cast %swap3A_349 : i32 to index
          %swap3A_352 = arith.index_cast %scan3A_268 : i32 to index
          %swap3A_353 = arith.constant 96 : index
          %swap3A_354 = tpu.vector_load %arg8[%swap3A_350, %swap3A_351, %swap3A_352, %swap3A_353] {strides = array<i32>} : memref<2x2x200x128xf32, #tpu.memory_space<vmem>>, vector<1x1x1x16xf32>,
          %swap3A_355 = vector.shape_cast %swap3A_354 : vector<1x1x1x16xf32> to vector<16xf32>
          %swap3A_356 = vector.shape_cast %get3A_296 : vector<16xf32> to vector<1x1x1x16xf32>
          tpu.vector_store %arg8[%swap3A_350, %swap3A_351, %swap3A_352, %swap3A_353], %swap3A_356 {add = true, strides = array<i32>} : memref<2x2x200x128xf32, #tpu.memory_space<vmem>>, vector<1x1x1x16xf32>,
          %swap3A_357 = arith.constant 0 : i32
          %swap3A_358 = arith.index_cast %rem3A_58 : i32 to index
          %swap3A_359 = arith.index_cast %swap3A_357 : i32 to index
          %swap3A_360 = arith.index_cast %scan3A_268 : i32 to index
          %swap3A_361 = arith.constant 112 : index
          %swap3A_362 = tpu.vector_load %arg8[%swap3A_358, %swap3A_359, %swap3A_360, %swap3A_361] {strides = array<i32>} : memref<2x2x200x128xf32, #tpu.memory_space<vmem>>, vector<1x1x1x16xf32>,
          %swap3A_363 = vector.shape_cast %swap3A_362 : vector<1x1x1x16xf32> to vector<16xf32>
          %swap3A_364 = vector.shape_cast %get3A_300 : vector<16xf32> to vector<1x1x1x16xf32>
          tpu.vector_store %arg8[%swap3A_358, %swap3A_359, %swap3A_360, %swap3A_361], %swap3A_364 {add = true, strides = array<i32>} : memref<2x2x200x128xf32, #tpu.memory_space<vmem>>, vector<1x1x1x16xf32>,
          %swap3A_365 = arith.constant 1 : i32
          %swap3A_366 = arith.index_cast %rem3A_58 : i32 to index
          %swap3A_367 = arith.index_cast %swap3A_365 : i32 to index
          %swap3A_368 = arith.index_cast %scan3A_268 : i32 to index
          %swap3A_369 = arith.constant 0 : index
          %swap3A_370 = tpu.vector_load %arg8[%swap3A_366, %swap3A_367, %swap3A_368, %swap3A_369] {strides = array<i32>} : memref<2x2x200x128xf32, #tpu.memory_space<vmem>>, vector<1x1x1x16xf32>,
          %swap3A_371 = vector.shape_cast %swap3A_370 : vector<1x1x1x16xf32> to vector<16xf32>
          %swap3A_372 = vector.shape_cast %get3A_272 : vector<16xf32> to vector<1x1x1x16xf32>
          tpu.vector_store %arg8[%swap3A_366, %swap3A_367, %swap3A_368, %swap3A_369], %swap3A_372 {add = true, strides = array<i32>} : memref<2x2x200x128xf32, #tpu.memory_space<vmem>>, vector<1x1x1x16xf32>,
          %swap3A_373 = arith.constant 1 : i32
          %swap3A_374 = arith.index_cast %rem3A_58 : i32 to index
          %swap3A_375 = arith.index_cast %swap3A_373 : i32 to index
          %swap3A_376 = arith.index_cast %scan3A_268 : i32 to index
          %swap3A_377 = arith.constant 16 : index
          %swap3A_378 = tpu.vector_load %arg8[%swap3A_374, %swap3A_375, %swap3A_376, %swap3A_377] {strides = array<i32>} : memref<2x2x200x128xf32, #tpu.memory_space<vmem>>, vector<1x1x1x16xf32>,
          %swap3A_379 = vector.shape_cast %swap3A_378 : vector<1x1x1x16xf32> to vector<16xf32>
          %swap3A_380 = vector.shape_cast %get3A_276 : vector<16xf32> to vector<1x1x1x16xf32>
          tpu.vector_store %arg8[%swap3A_374, %swap3A_375, %swap3A_376, %swap3A_377], %swap3A_380 {add = true, strides = array<i32>} : memref<2x2x200x128xf32, #tpu.memory_space<vmem>>, vector<1x1x1x16xf32>,
          %swap3A_381 = arith.constant 1 : i32
          %swap3A_382 = arith.index_cast %rem3A_58 : i32 to index
          %swap3A_383 = arith.index_cast %swap3A_381 : i32 to index
          %swap3A_384 = arith.index_cast %scan3A_268 : i32 to index
          %swap3A_385 = arith.constant 32 : index
          %swap3A_386 = tpu.vector_load %arg8[%swap3A_382, %swap3A_383, %swap3A_384, %swap3A_385] {strides = array<i32>} : memref<2x2x200x128xf32, #tpu.memory_space<vmem>>, vector<1x1x1x16xf32>,
          %swap3A_387 = vector.shape_cast %swap3A_386 : vector<1x1x1x16xf32> to vector<16xf32>
          %swap3A_388 = vector.shape_cast %get3A_280 : vector<16xf32> to vector<1x1x1x16xf32>
          tpu.vector_store %arg8[%swap3A_382, %swap3A_383, %swap3A_384, %swap3A_385], %swap3A_388 {add = true, strides = array<i32>} : memref<2x2x200x128xf32, #tpu.memory_space<vmem>>, vector<1x1x1x16xf32>,
          %swap3A_389 = arith.constant 1 : i32
          %swap3A_390 = arith.index_cast %rem3A_58 : i32 to index
          %swap3A_391 = arith.index_cast %swap3A_389 : i32 to index
          %swap3A_392 = arith.index_cast %scan3A_268 : i32 to index
          %swap3A_393 = arith.constant 48 : index
          %swap3A_394 = tpu.vector_load %arg8[%swap3A_390, %swap3A_391, %swap3A_392, %swap3A_393] {strides = array<i32>} : memref<2x2x200x128xf32, #tpu.memory_space<vmem>>, vector<1x1x1x16xf32>,
          %swap3A_395 = vector.shape_cast %swap3A_394 : vector<1x1x1x16xf32> to vector<16xf32>
          %swap3A_396 = vector.shape_cast %get3A_284 : vector<16xf32> to vector<1x1x1x16xf32>
          tpu.vector_store %arg8[%swap3A_390, %swap3A_391, %swap3A_392, %swap3A_393], %swap3A_396 {add = true, strides = array<i32>} : memref<2x2x200x128xf32, #tpu.memory_space<vmem>>, vector<1x1x1x16xf32>,
          %swap3A_397 = arith.constant 1 : i32
          %swap3A_398 = arith.index_cast %rem3A_58 : i32 to index
          %swap3A_399 = arith.index_cast %swap3A_397 : i32 to index
          %swap3A_400 = arith.index_cast %scan3A_268 : i32 to index
          %swap3A_401 = arith.constant 64 : index
          %swap3A_402 = tpu.vector_load %arg8[%swap3A_398, %swap3A_399, %swap3A_400, %swap3A_401] {strides = array<i32>} : memref<2x2x200x128xf32, #tpu.memory_space<vmem>>, vector<1x1x1x16xf32>,
          %swap3A_403 = vector.shape_cast %swap3A_402 : vector<1x1x1x16xf32> to vector<16xf32>
          %swap3A_404 = vector.shape_cast %get3A_288 : vector<16xf32> to vector<1x1x1x16xf32>
          tpu.vector_store %arg8[%swap3A_398, %swap3A_399, %swap3A_400, %swap3A_401], %swap3A_404 {add = true, strides = array<i32>} : memref<2x2x200x128xf32, #tpu.memory_space<vmem>>, vector<1x1x1x16xf32>,
          %swap3A_405 = arith.constant 1 : i32
          %swap3A_406 = arith.index_cast %rem3A_58 : i32 to index
          %swap3A_407 = arith.index_cast %swap3A_405 : i32 to index
          %swap3A_408 = arith.index_cast %scan3A_268 : i32 to index
          %swap3A_409 = arith.constant 80 : index
          %swap3A_410 = tpu.vector_load %arg8[%swap3A_406, %swap3A_407, %swap3A_408, %swap3A_409] {strides = array<i32>} : memref<2x2x200x128xf32, #tpu.memory_space<vmem>>, vector<1x1x1x16xf32>,
          %swap3A_411 = vector.shape_cast %swap3A_410 : vector<1x1x1x16xf32> to vector<16xf32>
          %swap3A_412 = vector.shape_cast %get3A_292 : vector<16xf32> to vector<1x1x1x16xf32>
          tpu.vector_store %arg8[%swap3A_406, %swap3A_407, %swap3A_408, %swap3A_409], %swap3A_412 {add = true, strides = array<i32>} : memref<2x2x200x128xf32, #tpu.memory_space<vmem>>, vector<1x1x1x16xf32>,
          %swap3A_413 = arith.constant 1 : i32
          %swap3A_414 = arith.index_cast %rem3A_58 : i32 to index
          %swap3A_415 = arith.index_cast %swap3A_413 : i32 to index
          %swap3A_416 = arith.index_cast %scan3A_268 : i32 to index
          %swap3A_417 = arith.constant 96 : index
          %swap3A_418 = tpu.vector_load %arg8[%swap3A_414, %swap3A_415, %swap3A_416, %swap3A_417] {strides = array<i32>} : memref<2x2x200x128xf32, #tpu.memory_space<vmem>>, vector<1x1x1x16xf32>,
          %swap3A_419 = vector.shape_cast %swap3A_418 : vector<1x1x1x16xf32> to vector<16xf32>
          %swap3A_420 = vector.shape_cast %get3A_296 : vector<16xf32> to vector<1x1x1x16xf32>
          tpu.vector_store %arg8[%swap3A_414, %swap3A_415, %swap3A_416, %swap3A_417], %swap3A_420 {add = true, strides = array<i32>} : memref<2x2x200x128xf32, #tpu.memory_space<vmem>>, vector<1x1x1x16xf32>,
          %swap3A_421 = arith.constant 1 : i32
          %swap3A_422 = arith.index_cast %rem3A_58 : i32 to index
          %swap3A_423 = arith.index_cast %swap3A_421 : i32 to index
          %swap3A_424 = arith.index_cast %scan3A_268 : i32 to index
          %swap3A_425 = arith.constant 112 : index
          %swap3A_426 = tpu.vector_load %arg8[%swap3A_422, %swap3A_423, %swap3A_424, %swap3A_425] {strides = array<i32>} : memref<2x2x200x128xf32, #tpu.memory_space<vmem>>, vector<1x1x1x16xf32>,
          %swap3A_427 = vector.shape_cast %swap3A_426 : vector<1x1x1x16xf32> to vector<16xf32>
          %swap3A_428 = vector.shape_cast %get3A_300 : vector<16xf32> to vector<1x1x1x16xf32>
          tpu.vector_store %arg8[%swap3A_422, %swap3A_423, %swap3A_424, %swap3A_425], %swap3A_428 {add = true, strides = array<i32>} : memref<2x2x200x128xf32, #tpu.memory_space<vmem>>, vector<1x1x1x16xf32>,
          %scan3A_429 = arith.constant 0 : i32
          scf.yield %scan3A_429 : i32
        }
        %scan3A_83 = arith.constant 200 : i32
        %sub3A_84 = arith.constant 1 : i32
        %sub3A_85 = arith.subi %scan3A_48, %sub3A_84 : i32
        %mul3A_86 = arith.constant 2 : i32
        %mul3A_87 = arith.muli %mul3A_86, %sub3A_85 : i32
        %add3A_88 = arith.addi %mul3A_2, %mul3A_87 : i32
        %dma_start3A = arith.constant 0 : i32
        %dma_start3A_89 = arith.constant 0 : i32
        %dma_start3A_90 = arith.constant 0 : i32
        %dma_start3A_91 = tpu.memref_slice %arg8[%rem3A_58, %dma_start3A, %dma_start3A_89, %dma_start3A_90] : memref<2x2x200x128xf32, #tpu.memory_space<vmem>> -> memref<1x2x200x128xf32, #tpu.memory_space<vmem>>
        %dma_start3A_92 = tpu.memref_squeeze %dma_start3A_91 : memref<1x2x200x128xf32, #tpu.memory_space<vmem>> -> memref<2x200x128xf32, #tpu.memory_space<vmem>>
        %dma_start3A_93 = arith.constant 0 : i32
        %dma_start3A_94 = arith.constant 0 : i32
        %dma_start3A_95 = tpu.memref_slice %arg5[%add3A_88, %dma_start3A_93, %dma_start3A_94] : memref<1024x200x128xf32, #tpu.memory_space<hbm>> -> memref<2x200x128xf32, #tpu.memory_space<hbm>>
        %dma_start3A_96 = tpu.memref_slice %arg10[%rem3A_58] : memref<2x!tpu.dma_semaphore, #tpu.memory_space<semaphore_mem>> -> memref<1x!tpu.dma_semaphore, #tpu.memory_space<semaphore_mem>>
        %dma_start3A_97 = tpu.memref_squeeze %dma_start3A_96 : memref<1x!tpu.dma_semaphore, #tpu.memory_space<semaphore_mem>> -> memref<!tpu.dma_semaphore, #tpu.memory_space<semaphore_mem>>
        %dma_start3A_98 = arith.constant 0 : i32
        %dma_start3A_99 = arith.constant 0 : i32
        %dma_start3A_100 = tpu.memref_slice %arg5[%add3A_88, %dma_start3A_98, %dma_start3A_99] : memref<1024x200x128xf32, #tpu.memory_space<hbm>> -> memref<2x200x128xf32, #tpu.memory_space<hbm>>
        %dma_start3A_101 = arith.constant 0 : i32
        %dma_start3A_102 = arith.constant 0 : i32
        %dma_start3A_103 = arith.constant 0 : i32
        %dma_start3A_104 = tpu.memref_slice %arg8[%rem3A_58, %dma_start3A_101, %dma_start3A_102, %dma_start3A_103] : memref<2x2x200x128xf32, #tpu.memory_space<vmem>> -> memref<1x2x200x128xf32, #tpu.memory_space<vmem>>
        %dma_start3A_105 = tpu.memref_squeeze %dma_start3A_104 : memref<1x2x200x128xf32, #tpu.memory_space<vmem>> -> memref<2x200x128xf32, #tpu.memory_space<vmem>>
        tpu.enqueue_dma source(%dma_start3A_105 : memref<2x200x128xf32, #tpu.memory_space<vmem>>) target(%dma_start3A_100 : memref<2x200x128xf32, #tpu.memory_space<hbm>>) target_semaphore(%dma_start3A_97 : memref<!tpu.dma_semaphore, #tpu.memory_space<semaphore_mem>>)
      } else {
      }
      %scan3A_56 = arith.constant 0 : i32
      scf.yield %scan3A_56 : i32
    }
    %scan3A_8 = arith.constant 17 : i32
    %dma_wait3A = arith.constant 0 : i32
    %dma_wait3A_9 = arith.constant 0 : i32
    %dma_wait3A_10 = arith.constant 0 : i32
    %dma_wait3A_11 = arith.constant 0 : i32
    %dma_wait3A_12 = arith.constant 0 : i32
    %dma_wait3A_13 = tpu.memref_slice %arg8[%dma_wait3A, %dma_wait3A_10, %dma_wait3A_11, %dma_wait3A_12] : memref<2x2x200x128xf32, #tpu.memory_space<vmem>> -> memref<1x2x200x128xf32, #tpu.memory_space<vmem>>
    %dma_wait3A_14 = tpu.memref_squeeze %dma_wait3A_13 : memref<1x2x200x128xf32, #tpu.memory_space<vmem>> -> memref<2x200x128xf32, #tpu.memory_space<vmem>>
    %dma_wait3A_15 = arith.constant 0 : i32
    %dma_wait3A_16 = arith.constant 0 : i32
    %dma_wait3A_17 = tpu.memref_slice %arg5[%mul3A_2, %dma_wait3A_15, %dma_wait3A_16] : memref<1024x200x128xf32, #tpu.memory_space<hbm>> -> memref<2x200x128xf32, #tpu.memory_space<hbm>>
    %dma_wait3A_18 = tpu.memref_slice %arg10[%dma_wait3A_9] : memref<2x!tpu.dma_semaphore, #tpu.memory_space<semaphore_mem>> -> memref<1x!tpu.dma_semaphore, #tpu.memory_space<semaphore_mem>>
    %dma_wait3A_19 = tpu.memref_squeeze %dma_wait3A_18 : memref<1x!tpu.dma_semaphore, #tpu.memory_space<semaphore_mem>> -> memref<!tpu.dma_semaphore, #tpu.memory_space<semaphore_mem>>
    %dma_wait3A_20 = arith.constant 0 : i32
    %dma_wait3A_21 = arith.constant 0 : i32
    %dma_wait3A_22 = tpu.memref_slice %arg5[%mul3A_2, %dma_wait3A_20, %dma_wait3A_21] : memref<1024x200x128xf32, #tpu.memory_space<hbm>> -> memref<2x200x128xf32, #tpu.memory_space<hbm>>
    %dma_wait3A_23 = arith.constant 0 : i32
    %dma_wait3A_24 = arith.constant 0 : i32
    %dma_wait3A_25 = arith.constant 0 : i32
    %dma_wait3A_26 = tpu.memref_slice %arg8[%dma_wait3A, %dma_wait3A_23, %dma_wait3A_24, %dma_wait3A_25] : memref<2x2x200x128xf32, #tpu.memory_space<vmem>> -> memref<1x2x200x128xf32, #tpu.memory_space<vmem>>
    %dma_wait3A_27 = tpu.memref_squeeze %dma_wait3A_26 : memref<1x2x200x128xf32, #tpu.memory_space<vmem>> -> memref<2x200x128xf32, #tpu.memory_space<vmem>>
    tpu.wait_dma2 semaphore(%dma_wait3A_19 : memref<!tpu.dma_semaphore, #tpu.memory_space<semaphore_mem>>) src(%dma_wait3A_27 : memref<2x200x128xf32, #tpu.memory_space<vmem>>) dst(%dma_wait3A_22 : memref<2x200x128xf32, #tpu.memory_space<hbm>>)
    %dma_wait3A_28 = arith.constant 1 : i32
    %dma_wait3A_29 = arith.constant 1 : i32
    %dma_wait3A_30 = arith.constant 0 : i32
    %dma_wait3A_31 = arith.constant 0 : i32
    %dma_wait3A_32 = arith.constant 0 : i32
    %dma_wait3A_33 = tpu.memref_slice %arg8[%dma_wait3A_28, %dma_wait3A_30, %dma_wait3A_31, %dma_wait3A_32] : memref<2x2x200x128xf32, #tpu.memory_space<vmem>> -> memref<1x2x200x128xf32, #tpu.memory_space<vmem>>
    %dma_wait3A_34 = tpu.memref_squeeze %dma_wait3A_33 : memref<1x2x200x128xf32, #tpu.memory_space<vmem>> -> memref<2x200x128xf32, #tpu.memory_space<vmem>>
    %dma_wait3A_35 = arith.constant 0 : i32
    %dma_wait3A_36 = arith.constant 0 : i32
    %dma_wait3A_37 = tpu.memref_slice %arg5[%mul3A_2, %dma_wait3A_35, %dma_wait3A_36] : memref<1024x200x128xf32, #tpu.memory_space<hbm>> -> memref<2x200x128xf32, #tpu.memory_space<hbm>>
    %dma_wait3A_38 = tpu.memref_slice %arg10[%dma_wait3A_29] : memref<2x!tpu.dma_semaphore, #tpu.memory_space<semaphore_mem>> -> memref<1x!tpu.dma_semaphore, #tpu.memory_space<semaphore_mem>>
    %dma_wait3A_39 = tpu.memref_squeeze %dma_wait3A_38 : memref<1x!tpu.dma_semaphore, #tpu.memory_space<semaphore_mem>> -> memref<!tpu.dma_semaphore, #tpu.memory_space<semaphore_mem>>
    %dma_wait3A_40 = arith.constant 0 : i32
    %dma_wait3A_41 = arith.constant 0 : i32
    %dma_wait3A_42 = tpu.memref_slice %arg5[%mul3A_2, %dma_wait3A_40, %dma_wait3A_41] : memref<1024x200x128xf32, #tpu.memory_space<hbm>> -> memref<2x200x128xf32, #tpu.memory_space<hbm>>
    %dma_wait3A_43 = arith.constant 0 : i32
    %dma_wait3A_44 = arith.constant 0 : i32
    %dma_wait3A_45 = arith.constant 0 : i32
    %dma_wait3A_46 = tpu.memref_slice %arg8[%dma_wait3A_28, %dma_wait3A_43, %dma_wait3A_44, %dma_wait3A_45] : memref<2x2x200x128xf32, #tpu.memory_space<vmem>> -> memref<1x2x200x128xf32, #tpu.memory_space<vmem>>
    %dma_wait3A_47 = tpu.memref_squeeze %dma_wait3A_46 : memref<1x2x200x128xf32, #tpu.memory_space<vmem>> -> memref<2x200x128xf32, #tpu.memory_space<vmem>>
    tpu.wait_dma2 semaphore(%dma_wait3A_39 : memref<!tpu.dma_semaphore, #tpu.memory_space<semaphore_mem>>) src(%dma_wait3A_47 : memref<2x200x128xf32, #tpu.memory_space<vmem>>) dst(%dma_wait3A_42 : memref<2x200x128xf32, #tpu.memory_space<hbm>>)
    return
  }
}

</mosaic_0001>

<sc_bundles>
// kernel: kernel.3.cloned.1.call-start
scs
__scs_entry_jumppad:
0x0: {  	(pc) =	sbr.rel $0x88, $3  }
0x1: {  	(tag) =	ssettag $0x0;
	lr =	simm.s32 $0x1  }
0x2: {  	[smem:$0x3F9E] =	sst lr;
	_ =	strace $0xD0000000  }
0x3: {  	_ = 	snop  }
0x4: {  	_ = 	snop  }
0x5: {  	_ = 	snop  }
0x6: {  	_ = 	snop  }
0x7: {  	_ = 	snop  }
__scs_overlays_trampoline_lowered:
0x8: {  	[smem:$0x3FAD] =	sst s0  }
0x9: {  	[smem:$0x3FAE] =	sst s1  }
0xa: {  	[smem:$0x3FAF] =	sst s2  }
0xb: {  	[smem:$0x3FB0] =	sst s3  }
0xc: {  	[smem:$0x3FB1] =	sst s4  }
0xd: {  	[smem:$0x3FB2] =	sst s5  }
0xe: {  	[smem:$0x3FB3] =	sst s6  }
0xf: {  	[smem:$0x3FB4] =	sst s7  }
0x10: {  	[smem:$0x3FB5] =	sst s8  }
0x11: {  	[smem:$0x3FB6] =	sst s9;
	s0 =	simm.s32 @!p0 $0x0  }
0x12: {  	s1 =	sld [smem:$0x3F9C];
	s0 =	simm.s32 @p0 $0x1  }
0x13: {  	[smem:$0x3FB7] =	sst s0;
	s0 =	simm.s32 @!p1 $0x0  }
0x14: {  	s2 =	sld [smem:$0x3F9B];
	s0 =	simm.s32 @p1 $0x1  }
0x15: {  	[smem:$0x3FB8] =	sst s0;
	s0 =	simm.s32 @!p2 $0x0  }
0x16: {  	s3 =	sld [smem:$0x3FDB];
	s0 =	simm.s32 @p2 $0x1  }
0x17: {  	s4 =	simm.s32 $0x1BF5;
	[smem:$0x3FBA] =	sst s0  }
0x18: {  	s0 =	sld [smem:$0x3F9D];
	_ =	swait.ge [sflag:s4], $0x0  }
0x19: {  	s7 =	sld [smem:$0x3F9E]  }
0x1a: {  	s8 =	sadd.s32 $0xFFFFE003, lr  }
0x1b: {  	s9 =	sadd.s32 $0xFFFFFEF7, lr;
	s5 =	simm.s32 $0xFFFFFFFF;
	p2 =	slt.u32 s8, $0xFFFFF086  }
0x1c: {  	p1 =	slt.u32 s9, $0xF7A;
	s5 =	simm.s32 @!p2 $0x0  }
0x1d: {  	s5 =	simm.s32 @p1 $0x1;
	p0 =	seq.s32 s7, s2  }
0x1e: {  	s7 =	smul.u32 @!p0 $0xF7A, s2;
	p2 =	seq.s32 @!p0 s5, $0x0  }
0x1f: {  	s9 =	smul.u32 $0xF7A, s1;
	s8 =	simm.s32 @!p0 $0x1BF5;
	p2 =	por !p2, p0  }
0x20: {  	[sflag:s8] =	ssyncset.s32 @!p0 $0xFFFFF086;
	s6 =	sadd.s32 @!p0 s3, s7;
	s7 =	simm.s32 @!p0 $0x108  }
0x21: {  	s3 =	sadd.s32 s3, s9;
	s6 =	sadd.s32 @!p0 $0x88, s6;
	s7 =	simm.s32 @p2 $0x1082  }
0x22: {  	[simem:s7], [sflag:s8] =	dma.local @!p0 [hbm:s6], $0xF7A  }
0x23: {  	s9 =	sor.u32 $0xD0000000, s2;
	s6 =	simm.s32 $0x108;
	_ =	swait.ge @!p0 [sflag:s8], $0x0  }
0x24: {  	s3 =	sadd.s32 $0x88, s3;
	s6 =	simm.s32 @!p1 $0x1082;
	[sflag:s4] =	ssyncset.s32 $0xFFFFF086  }
0x25: {  	[simem:s6], [sflag:s4] =	dma.local [hbm:s3], $0xF7A  }
0x26: {  	[smem:$0x3F9E] =	sst s1;
	(tag) =	ssettag s2;
	_ =	strace s9  }
0x27: {  	s1 =	sld [smem:$0x3FAE]  }
0x28: {  	s2 =	sld [smem:$0x3FAF]  }
0x29: {  	s4 =	sld [smem:$0x3FB1]  }
0x2a: {  	p0 =	seq.s32 s5, $0x0;
	s5 =	sld [smem:$0x3FB2]  }
0x2b: {  	s6 =	sld [smem:$0x3FB3]  }
0x2c: {  	s7 =	sld [smem:$0x3FB4]  }
0x2d: {  	s3 =	simm.s32 $0x108;
	s8 =	sld [smem:$0x3FB5]  }
0x2e: {  	s3 =	simm.s32 @!p0 $0x1082;
	s9 =	sld [smem:$0x3FB6]  }
0x2f: {  	lr =	sadd.s32 s0, s3;
	s0 =	sld [smem:$0x3FAD]  }
0x30: {  	s3 =	sld [smem:$0x3FB0]  }
0x31: {  	[smem:$0x3FB9] =	sst s10  }
0x32: {  	s10 =	sld [smem:$0x3FB7];
	_ =	sdelay $0x3  }
0x33: {  	p0 =	seq.s32 s10, $0x1;
	s10 =	sld [smem:$0x3FB9];
	_ =	sdelay $0x3  }
0x34: {  	[smem:$0x3FB9] =	sst s10  }
0x35: {  	s10 =	sld [smem:$0x3FB8];
	_ =	sdelay $0x3  }
0x36: {  	p1 =	seq.s32 s10, $0x1;
	s10 =	sld [smem:$0x3FB9];
	_ =	sdelay $0x3  }
0x37: {  	[smem:$0x3FB9] =	sst s10  }
0x38: {  	s10 =	sld [smem:$0x3FBA]  }
0x39: {  	_ = 	snop;
	(pc) =	sbr.ind lr, $3  }
0x3a: {  	_ = 	snop  }
0x3b: {  	_ = 	snop  }
0x3c: {  	p2 =	seq.s32 s10, $0x1;
	s10 =	sld [smem:$0x3FB9]  }
0x3d: {  	_ =	shalt  }
0x3e: {  	_ =	shalt  }
0x3f: {  	_ =	shalt  }
0x40: {  	_ =	shalt  }
0x41: {  	_ =	shalt  }
0x42: {  	_ =	shalt  }
0x43: {  	_ =	shalt  }
0x44: {  	_ =	shalt  }
0x45: {  	_ =	shalt  }
0x46: {  	_ =	shalt  }
0x47: {  	_ =	shalt  }
0x48: {  	_ =	shalt  }
0x49: {  	_ =	shalt  }
0x4a: {  	_ =	shalt  }
0x4b: {  	_ =	shalt  }
0x4c: {  	_ =	shalt  }
0x4d: {  	_ =	shalt  }
0x4e: {  	_ =	shalt  }
0x4f: {  	_ =	shalt  }
0x50: {  	_ =	shalt  }
0x51: {  	_ =	shalt  }
0x52: {  	_ =	shalt  }
0x53: {  	_ =	shalt  }
0x54: {  	_ =	shalt  }
0x55: {  	_ =	shalt  }
0x56: {  	_ =	shalt  }
0x57: {  	_ =	shalt  }
0x58: {  	_ =	shalt  }
0x59: {  	_ =	shalt  }
0x5a: {  	_ =	shalt  }
0x5b: {  	_ =	shalt  }
0x5c: {  	_ =	shalt  }
0x5d: {  	_ =	shalt  }
0x5e: {  	_ =	shalt  }
0x5f: {  	_ =	shalt  }
0x60: {  	_ =	shalt  }
0x61: {  	_ =	shalt  }
0x62: {  	_ =	shalt  }
0x63: {  	_ =	shalt  }
0x64: {  	_ =	shalt  }
0x65: {  	_ =	shalt  }
0x66: {  	_ =	shalt  }
0x67: {  	_ =	shalt  }
0x68: {  	_ =	shalt  }
0x69: {  	_ =	shalt  }
0x6a: {  	_ =	shalt  }
0x6b: {  	_ =	shalt  }
0x6c: {  	_ =	shalt  }
0x6d: {  	_ =	shalt  }
0x6e: {  	_ =	shalt  }
0x6f: {  	_ =	shalt  }
0x70: {  	_ =	shalt  }
0x71: {  	_ =	shalt  }
0x72: {  	_ =	shalt  }
0x73: {  	_ =	shalt  }
0x74: {  	_ =	shalt  }
0x75: {  	_ =	shalt  }
0x76: {  	_ =	shalt  }
0x77: {  	_ =	shalt  }
0x78: {  	_ =	shalt  }
0x79: {  	_ =	shalt  }
0x7a: {  	_ =	shalt  }
0x7b: {  	_ =	shalt  }
0x7c: {  	_ =	shalt  }
0x7d: {  	_ =	shalt  }
0x7e: {  	_ =	shalt  }
0x7f: {  	_ =	shalt  }
0x80: {  	_ =	shalt  }
0x81: {  	_ =	shalt  }
0x82: {  	_ =	shalt  }
0x83: {  	_ =	shalt  }
0x84: {  	_ =	shalt  }
0x85: {  	_ =	shalt  }
0x86: {  	_ =	shalt  }
0x87: {  	_ =	shalt  }
.Lfunc_end0:
.L_simem_size_0:
called_computation_lowered:
.L_overlay_start_0:
0x88: {  	s2 =	sld [smem:$0x3FD9]  }
0x89: {  	s3 =	sld [smem:$0x3FFE];
	_ =	sdelay $0x1  }
0x8a: {  	s1 =	srdreg.scid  }
0x8b: {  	s0 =	sand.u32 $0x1, s1  }
0x8c: {  	s17 =	sshll.u32 s0, $0xA;
	s2 =	sadd.s32 s3, s2  }
0x8d: {  	s2 =	sadd.s32 s2, s17  }
0x8e: {  	[smem:$0x3FC5] =	sst s2  }
0x8f: {  	_ = 	snop  }
0x90: {  	s2 =	sld [smem:$0x3FC8]  }
0x91: {  	s18 =	sld [smem:$0x3FC7]  }
0x92: {  	s4 =	sld [smem:$0x3FD0];
	(tm) =	ssettm $0x1  }
0x93: {  	s5 =	sld [smem:$0x3FFB];
	_ =	sdelay $0x3  }
0x94: {  	_ =	strace s5  }
0x95: {  	s5 =	sld [smem:$0x3FFC];
	_ =	sdelay $0x3  }
0x96: {  	_ =	strace s5  }
0x97: {  	s5 =	sld [smem:$0x3FFD];
	_ =	sdelay $0x3  }
0x98: {  	_ =	strace s5  }
0x99: {  	_ =	strace $0x8FFFFFFF  }
0x9a: {  	s19 =	sld [smem:$0x3FDB];
	_ =	sdelay $0x1  }
0x9b: {  	s6 =	simm.s32 $_scs_section_size  }
0x9c: {  	s7 =	simm.s32 $_size__tile_overlayer_lowered;
	s8 =	simm.s32 $_tile_overlayer_lowered  }
0x9d: {  	s22 =	simm.s32 $0x1BFF;
	s21 =	sshll.u32 s8, $0x1;
	s5 =	sadd.s32 s6, s19  }
0x9e: {  	s9 =	simm.s32 $0x0;
	s20 =	sshll.u32 s7, $0x1;
	s7 =	sadd.s32 s21, s5  }
0x9f: {  	[timem:s9], [sflag:s22] =	dma.local [hbm:s7], s20  }
0xa0: {  	_ =	swait.ge [sflag:s22], s20  }
0xa1: {  	s6 =	ssub.s32 $0x0, s20;
	[sflag:s22] =	ssyncset.done $0x0  }
0xa2: {  	[sflag:s22] =	ssyncadd.s32 s6;
	_ =	sdelay $0x1  }
0xa3: {  	s23 =	simm.s32 $0x1B8B  }
0xa4: {  	_ =	swait.ge [sflag:s23], $0x1  }
0xa5: {  	[sflag:s23] =	ssyncset.done $0x0  }
0xa6: {  	s25 =	simm.s32 $0x1B8E;
	s24 =	sld [smem:$0x3FFE];
	[sflag:s23] =	ssyncadd.s32 $0xFFFFFFFF  }
0xa7: {  	s26 =	simm.s32 $execute0_lowered;
	[smem:$0x3FD2] =	sst s25  }
0xa8: {  	s7 =	sshll.u32 s26, $0x1;
	_ =	strace $0x80000046;
	[dreg:$0x1] =	wrdreg $0xFFFFFFFF  }
0xa9: {  	s28 =	simm.s32 $_size_execute0_lowered;
	s5 =	sadd.s32 s5, s7;
	[dreg:$0x0] =	wrdreg $0x0  }
0xaa: {  	s7 =	sshll.u32 s28, $0x1;
	[dreg:$0x2] =	wrdreg s5  }
0xab: {  	[dreg:$0x3] =	wrdreg s7  }
0xac: {  	[dreg:$0x4] =	wrdreg $0xC0  }
0xad: {  	_ =	task [dreg:s9], $0x5FFFF  }
0xae: {  	[dreg:$0x1] =	wrdreg $0xFFFFFFFF  }
0xaf: {  	[dreg:$0x0] =	wrdreg $0x60  }
0xb0: {  	[dreg:$0x2] =	wrdreg s24  }
0xb1: {  	[dreg:$0x3] =	wrdreg s2  }
0xb2: {  	[dreg:$0x4] =	wrdreg s18  }
0xb3: {  	[dreg:$0x5] =	wrdreg s4  }
0xb4: {  	[dreg:$0x6] =	wrdreg $0x9  }
0xb5: {  	_ =	task.clear_ibuf [dreg:s9], $0x7FFFF;
	_ =	strace $0x90000046  }
0xb6: {  	s29 =	simm.s32 $0x9;
	_ =	strace $0x80000048  }
0xb7: {  	_ =	swait.ge [sflag:s29], $0x1  }
0xb8: {  	[sflag:s29] =	ssyncadd.s32 $0xFFFFFFFF  }
0xb9: {  	_ =	strace $0x90000048  }
0xba: {  	_ =	sfence  }
0xbb: {  	s30 =	sld [smem:$0x0];
	_ =	sdelay $0x2  }
0xbc: {  	s31 =	sshll.u32 s1, $0xD;
	s1 =	sshrl.u32 s1, $0x2  }
0xbd: {  	s3 =	sand.u32 $0x4000, s31;
	s1 =	sadd.s32 s1, s30  }
0xbe: {  	s0 =	sor.u32 s3, s0;
	s1 =	sshll.u32 s1, $0x11  }
0xbf: {  	s0 =	sor.u32 s1, s0  }
0xc0: {  	s0 =	sadd.s32 $0x8F2B, s0  }
0xc1: {  	[sflag:s0] =	ssyncadd.remote.s32 $0x1  }
0xc2: {  	_ =	sfence.sel $0xFFFF  }
0xc3: {  	[dreg:$0x0] =	wrdreg $0xFFFFFFFF;
	(pc) =	sbr.abs _section_cstart, $3  }
0xc4: {  	[dreg:$0x1] =	wrdreg $0xFFFFFFFF  }
0xc5: {  	_ =	task.clear_ibuf [dreg:s9], $0x2FFFF;
	_ =	strace $0x9FFFFFFF  }
0xc6: {  	(tm) =	ssettm $0x7FFFFFFF  }
0xc7: {  	_ =	shalt  }
tec
execute0_lowered:
.L_overlay_start_1:
0x0: {  	(tag) =	ssettag $0x1  }
0x1: {  	s6 =	rddreg [dreg:$0x0]  }
0x2: {  	s1 =	rddreg [dreg:$0x1]  }
0x3: {  	s3 =	rddreg [dreg:$0x2];
	s2 =	srdreg.scid  }
0x4: {  	s0 =	stileid.u32;
	s4 =	rddreg [dreg:$0x3]  }
0x5: {  	s5 =	simm.s32 $0x0;
	s11 =	simm.s32 $0x3;
	s12 =	simm.s32 $0x4  }
0x6: {  	s13 =	simm.s32 $0x0;
	s7 =	sand.u32 $0x1, s2;
	s8 =	sshll.u32 s0, $0x1  }
.Ltmp0:
0x7: {  	s2 =	rddreg [dreg:$0x4];
	s8 =	sor.u32 s7, s8;
	(pc) =	sbr.rel .LBB2_1-.Ltmp0, $4  }
0x8: {  	[smem:$0x7FF] =	sst s5;
	s7 =	ssub.s32 $0x2, s7;
	s9 =	sshll.u32 s8, $0xA  }
0x9: {  	_ =	strace $0x80000047;
	s31 =	sshrl.u32 s7, $0x1;
	s9 =	sadd.s32 s9, s6  }
0xa: {  	s10 =	ssub.s32 s7, s31;
	s6 =	sshll.u32 s8, $0x5;
	s7 =	sadd.s32 $0x400, s9  }
0xb: {  	s8 =	smax.u32 s10, $0x1;
	s9 =	simm.s32 $0x800;
	s10 =	simm.s32 $0x5  }
.LBB2_7:
0xc: {  	s13 =	sadd.s32 $0x1, s13  }
0xd: {  	_ =	swait.ge [sflag:s11], $0xC800;
	p0 =	sne.s32 s13, s8  }
.Ltmp1:
0xe: {  	[sflag:s11] =	ssyncset.done $0x0;
	(pc) =	sbr.rel @!p0 .LBB2_8-.Ltmp1, $4  }
0xf: {  	[sflag:s11] =	ssyncadd.s32 $0xFFFF3800  }
0x10: {  	_ =	swait.ge [sflag:s12], $0xC800  }
0x11: {  	[sflag:s12] =	ssyncset.done $0x0  }
0x12: {  	[sflag:s12] =	ssyncadd.s32 $0xFFFF3800  }
.LBB2_1:
0x13: {  	[tilespmem:s9], [sflag:$0x5] =	stream.linear.gather [hbm4b:s3+s5], $0x6400, $0x38;
	[tilespmem:$0x1FC00] =	vst v63  }
0x14: {  	_ =	swait.ge [sflag:s10], $0x6400  }
0x15: {  	[sflag:s10] =	ssyncset.done $0x0  }
.Ltmp2:
0x16: {  	[sflag:s10] =	ssyncadd.s32 $0xFFFF9C00;
	(pc) =	sbr.rel .LBB2_2-.Ltmp2, $4  }
0x17: {  	[tilespmem:s5], [sflag:$0x5] =	stream.linear.gather [hbm4b:s7+s5], $0x400, $0x38;
	[tilespmem:$0x1FC00] =	vst v63  }
0x18: {  	_ =	swait.ge [sflag:s10], $0x400  }
0x19: {  	[sflag:s10] =	ssyncset.done $0x0  }
0x1a: {  	p0 =	por $0x1, $0x1;
	s14 =	simm.s32 $0x0;
	[sflag:s10] =	ssyncadd.s32 $0xFFFFFC00  }
.LBB2_6:
0x1b: {  	s14 =	sadd.s32 $0x1, s14  }
0x1c: {  	p1 =	sne.s32 s14, $0x11  }
.Ltmp3:
0x1d: {  	_ = 	snop;
	(pc) =	sbr.rel @!p1 .LBB2_7-.Ltmp3, $2  }
0x1e: {  	_ =	sdelay $0x2  }
0x1f: {  	p0 =	por !p0, !p0  }
.LBB2_2:
0x20: {  	p1 =	seq.s32 s14, $0x10  }
0x21: {  	p2 =	seq.s32 @!p1 s14, $0x0  }
0x22: {  	s15 =	sand.u32 @!p1 $0x1, s14;
	p3 =	por p2, p1  }
0x23: {  	p3 =	sne.s32 @!p3 s15, $0x0  }
0x24: {  	p3 =	por @!p1 p3, p2  }
0x25: {  	p3 =	por p3, p1  }
0x26: {  	s16 =	sshll.u32 @!p3 s14, $0x6;
	s17 =	sshll.u32 @!p3 s14, $0x9  }
0x27: {  	s18 =	simm.s32 @!p3 $0x0;
	s17 =	sand.u32 @!p3 $0x400, s17;
	s16 =	sadd.s32 @!p3 s16, s7  }
0x28: {  	[tilespmem:s17], [sflag:$0x5] =	stream.linear.gather @!p3 [hbm4b:s16+s18], $0x400, $0x38;
	[tilespmem:$0x1FC00] =	vst v63  }
0x29: {  	s16 =	simm.s32 @!p3 $0x5  }
0x2a: {  	p4 =	slt.u32 @!p1 s14, $0x2;
	_ =	swait.ge @!p3 [sflag:s16], $0x400  }
0x2b: {  	p4 =	por p4, p1;
	[sflag:s16] =	ssyncset.done @!p3 $0x0  }
0x2c: {  	[sflag:s16] =	ssyncadd.s32 @!p3 $0xFFFFFC00;
	s16 =	sadd.s32 @!p4 $0x3, s15  }
0x2d: {  	s17 =	smul.u32 @!p1 $0x32000, s15;
	_ =	swait.ge @!p4 [sflag:s16], $0xC800  }
0x2e: {  	s19 =	simm.s32 @!p1 $0x64;
	[sflag:s16] =	ssyncset.done @!p4 $0x0  }
0x2f: {  	s17 =	sshrl.u32 @!p1 s17, $0x2;
	[sflag:s16] =	ssyncadd.s32 @!p4 $0xFFFF3800;
	s16 =	sshll.u32 @!p1 s14, $0x9  }
0x30: {  	s18 =	sadd.s32 @!p1 $0x6C00, s17;
	s15 =	sadd.s32 @!p1 $0x1, s15;
	s16 =	sand.u32 @!p1 $0x600, s16  }
0x31: {  	[tilespmem:s18], [sflag:s15] =	stream.indirect.gather @!p1 [hbm4b:s1+s19], $0x80, s16, s19, $0xb8;
	[tilespmem:$0x1FC00] =	vst v63  }
0x32: {  	s18 =	sadd.s32 @!p1 $0x9E00, s17;
	s20 =	sor.u32 @!p1 $0x80, s16  }
0x33: {  	[tilespmem:s18], [sflag:s15] =	stream.indirect.gather @!p1 [hbm4b:s1+s19], $0x80, s20, s19, $0xb8;
	[tilespmem:$0x1FC00] =	vst v63  }
0x34: {  	s18 =	sadd.s32 @!p1 $0xD000, s17;
	s20 =	sor.u32 @!p1 $0x100, s16  }
0x35: {  	[tilespmem:s18], [sflag:s15] =	stream.indirect.gather @!p1 [hbm4b:s1+s19], $0x80, s20, s19, $0xb8;
	[tilespmem:$0x1FC00] =	vst v63  }
0x36: {  	s17 =	sor.u32 @!p1 $0x10200, s17;
	s16 =	sor.u32 @!p1 $0x180, s16  }
0x37: {  	[tilespmem:s17], [sflag:s15] =	stream.indirect.gather @!p1 [hbm4b:s1+s19], $0x80, s16, s19, $0xb8;
	[tilespmem:$0x1FC00] =	vst v63  }
0x38: {  	p1 =	por p1, !p2  }
.Ltmp4:
0x39: {  	_ = 	snop;
	(pc) =	sbr.rel @!p1 .LBB2_6-.Ltmp4, $1  }
0x3a: {  	_ =	sdelay $0x3  }
0x3b: {  	s16 =	sadd.s32 $0xFFFFFFFF, s14  }
0x3c: {  	s15 =	sand.u32 $0x1, s16  }
0x3d: {  	s17 =	sadd.s32 $0x1, s15  }
0x3e: {  	_ =	swait.ge [sflag:s17], $0xC800  }
0x3f: {  	[sflag:s17] =	ssyncset.done $0x0  }
0x40: {  	s19 =	simm.s32 $0x0;
	[sflag:s17] =	ssyncadd.s32 $0xFFFF3800  }
0x41: {  	v0 =	vld [tilespmem:s19+$0x850]  }
0x42: {  	s17 =	simm.s32 $0x1;
	v1 =	vld [tilespmem:s19+$0x870]  }
0x43: {  	s17 =	simm.s32 @!p0 $0x0;
	v2 =	vld [tilespmem:s19+$0x820]  }
0x44: {  	v3 =	vld [tilespmem:s19+$0x810];
	s17 =	smul.u32 $0x32000, s17  }
0x45: {  	v4 =	vld [tilespmem:s19+$0x800]  }
0x46: {  	v5 =	vld [tilespmem:s19+$0x860];
	s17 =	sshrl.u32 s17, $0x2  }
0x47: {  	v6 =	vld [tilespmem:s19+$0x840];
	s17 =	sadd.s32 $0x6C00, s17  }
0x48: {  	v7 =	vld [tilespmem:s19+$0x830];
	s18 =	sadd.s32 $0x0, s17  }
0x49: {  	[tilespmem:s18+$0x6470] =	vst.add.f32.msk $0xffff, v1  }
0x4a: {  	[tilespmem:s18+$0x6420] =	vst.add.f32.msk $0xffff, v2  }
0x4b: {  	[tilespmem:s18+$0x6450] =	vst.add.f32.msk $0xffff, v0  }
0x4c: {  	[tilespmem:s18+$0x70] =	vst.add.f32.msk $0xffff, v1  }
0x4d: {  	[tilespmem:s18+$0x50] =	vst.add.f32.msk $0xffff, v0  }
0x4e: {  	[tilespmem:s18+$0x20] =	vst.add.f32.msk $0xffff, v2  }
0x4f: {  	[tilespmem:s18+$0x6440] =	vst.add.f32.msk $0xffff, v6  }
0x50: {  	[tilespmem:s18+$0x10] =	vst.add.f32.msk $0xffff, v3  }
0x51: {  	[tilespmem:s18+$0x6410] =	vst.add.f32.msk $0xffff, v3  }
0x52: {  	[tilespmem:s18+$0x6400] =	vst.add.f32.msk $0xffff, v4  }
0x53: {  	[tilespmem:s18+$0x0] =	vst.add.f32.msk $0xffff, v4  }
0x54: {  	[tilespmem:s18+$0x60] =	vst.add.f32.msk $0xffff, v5  }
0x55: {  	[tilespmem:s18+$0x40] =	vst.add.f32.msk $0xffff, v6  }
0x56: {  	[tilespmem:s18+$0x6460] =	vst.add.f32.msk $0xffff, v5  }
0x57: {  	[tilespmem:s18+$0x30] =	vst.add.f32.msk $0xffff, v7  }
0x58: {  	[tilespmem:s18+$0x6430] =	vst.add.f32.msk $0xffff, v7  }
0x59: {  	v2 =	vld [tilespmem:s19+$0x8D0]  }
0x5a: {  	v0 =	vld [tilespmem:s19+$0x8E0]  }
0x5b: {  	v3 =	vld [tilespmem:s19+$0x8C0]  }
0x5c: {  	v4 =	vld [tilespmem:s19+$0x8A0]  }
0x5d: {  	v5 =	vld [tilespmem:s19+$0x8F0]  }
0x5e: {  	v6 =	vld [tilespmem:s19+$0x880]  }
0x5f: {  	v1 =	vld [tilespmem:s19+$0x890]  }
0x60: {  	v7 =	vld [tilespmem:s19+$0x8B0]  }
0x61: {  	[tilespmem:s18+$0x64D0] =	vst.add.f32.msk $0xffff, v2  }
0x62: {  	[tilespmem:s18+$0x64C0] =	vst.add.f32.msk $0xffff, v3  }
0x63: {  	[tilespmem:s18+$0x64A0] =	vst.add.f32.msk $0xffff, v4  }
0x64: {  	[tilespmem:s18+$0xE0] =	vst.add.f32.msk $0xffff, v0  }
0x65: {  	[tilespmem:s18+$0xD0] =	vst.add.f32.msk $0xffff, v2  }
0x66: {  	[tilespmem:s18+$0xC0] =	vst.add.f32.msk $0xffff, v3  }
0x67: {  	[tilespmem:s18+$0xA0] =	vst.add.f32.msk $0xffff, v4  }
0x68: {  	[tilespmem:s18+$0x64F0] =	vst.add.f32.msk $0xffff, v5  }
0x69: {  	[tilespmem:s18+$0xF0] =	vst.add.f32.msk $0xffff, v5  }
0x6a: {  	[tilespmem:s18+$0x6480] =	vst.add.f32.msk $0xffff, v6  }
0x6b: {  	s31 =	smul.u32 $0x32000, s15;
	[tilespmem:s18+$0x64B0] =	vst.add.f32.msk $0xffff, v7  }
0x6c: {  	[tilespmem:s18+$0xB0] =	vst.add.f32.msk $0xffff, v7  }
0x6d: {  	s19 =	sshrl.u32 s31, $0x2;
	[tilespmem:s18+$0x80] =	vst.add.f32.msk $0xffff, v6  }
0x6e: {  	s20 =	simm.s32 $0x0;
	s21 =	simm.s32 $0x400;
	s19 =	sadd.s32 $0x6C00, s19;
	[tilespmem:s18+$0x6490] =	vst.add.f32.msk $0xffff, v1  }
.LBB2_4:
0x6f: {  	s22 =	sshra.s32 s21, $0x2;
	s20 =	sadd.s32 $0x2, s20;
	[tilespmem:s18+$0x90] =	vst.add.f32.msk $0xffff, v1  }
0x70: {  	p1 =	slt.u32 s20, $0xC6;
	[tilespmem:s18+$0x64E0] =	vst.add.f32.msk $0xffff, v0  }
0x71: {  	v0 =	vld [tilespmem:s22+$0x850]  }
0x72: {  	v1 =	vld [tilespmem:s22+$0x870]  }
0x73: {  	v2 =	vld [tilespmem:s22+$0x820]  }
0x74: {  	v3 =	vld [tilespmem:s22+$0x810]  }
0x75: {  	s18 =	sadd.s32 s22, s17;
	v4 =	vld [tilespmem:s22+$0x800]  }
0x76: {  	v5 =	vld [tilespmem:s22+$0x860]  }
0x77: {  	v6 =	vld [tilespmem:s22+$0x840]  }
0x78: {  	v7 =	vld [tilespmem:s22+$0x830]  }
0x79: {  	[tilespmem:s18+$0x6470] =	vst.add.f32.msk $0xffff, v1  }
0x7a: {  	[tilespmem:s18+$0x6420] =	vst.add.f32.msk $0xffff, v2  }
0x7b: {  	[tilespmem:s18+$0x6450] =	vst.add.f32.msk $0xffff, v0  }
0x7c: {  	[tilespmem:s18+$0x70] =	vst.add.f32.msk $0xffff, v1  }
0x7d: {  	[tilespmem:s18+$0x50] =	vst.add.f32.msk $0xffff, v0  }
0x7e: {  	[tilespmem:s18+$0x20] =	vst.add.f32.msk $0xffff, v2  }
0x7f: {  	[tilespmem:s18+$0x6440] =	vst.add.f32.msk $0xffff, v6  }
0x80: {  	[tilespmem:s18+$0x10] =	vst.add.f32.msk $0xffff, v3  }
0x81: {  	[tilespmem:s18+$0x6410] =	vst.add.f32.msk $0xffff, v3  }
0x82: {  	[tilespmem:s18+$0x6400] =	vst.add.f32.msk $0xffff, v4  }
0x83: {  	[tilespmem:s18+$0x0] =	vst.add.f32.msk $0xffff, v4  }
0x84: {  	[tilespmem:s18+$0x60] =	vst.add.f32.msk $0xffff, v5  }
0x85: {  	[tilespmem:s18+$0x40] =	vst.add.f32.msk $0xffff, v6  }
0x86: {  	[tilespmem:s18+$0x6460] =	vst.add.f32.msk $0xffff, v5  }
0x87: {  	[tilespmem:s18+$0x30] =	vst.add.f32.msk $0xffff, v7  }
0x88: {  	[tilespmem:s18+$0x6430] =	vst.add.f32.msk $0xffff, v7  }
0x89: {  	v2 =	vld [tilespmem:s22+$0x8D0]  }
0x8a: {  	v0 =	vld [tilespmem:s22+$0x8E0]  }
0x8b: {  	v3 =	vld [tilespmem:s22+$0x8C0]  }
0x8c: {  	v4 =	vld [tilespmem:s22+$0x8A0]  }
0x8d: {  	v5 =	vld [tilespmem:s22+$0x8F0]  }
0x8e: {  	v6 =	vld [tilespmem:s22+$0x880]  }
0x8f: {  	v1 =	vld [tilespmem:s22+$0x890]  }
0x90: {  	v7 =	vld [tilespmem:s22+$0x8B0]  }
0x91: {  	[tilespmem:s18+$0x64D0] =	vst.add.f32.msk $0xffff, v2  }
0x92: {  	[tilespmem:s18+$0x64C0] =	vst.add.f32.msk $0xffff, v3  }
0x93: {  	[tilespmem:s18+$0x64A0] =	vst.add.f32.msk $0xffff, v4  }
0x94: {  	[tilespmem:s18+$0xE0] =	vst.add.f32.msk $0xffff, v0  }
0x95: {  	[tilespmem:s18+$0xD0] =	vst.add.f32.msk $0xffff, v2  }
0x96: {  	[tilespmem:s18+$0xC0] =	vst.add.f32.msk $0xffff, v3  }
0x97: {  	[tilespmem:s18+$0xA0] =	vst.add.f32.msk $0xffff, v4  }
0x98: {  	[tilespmem:s18+$0x64F0] =	vst.add.f32.msk $0xffff, v5  }
0x99: {  	[tilespmem:s18+$0xF0] =	vst.add.f32.msk $0xffff, v5  }
.Ltmp5:
0x9a: {  	[tilespmem:s18+$0x6480] =	vst.add.f32.msk $0xffff, v6;
	(pc) =	sbr.rel @p1 .LBB2_4-.Ltmp5, $4  }
0x9b: {  	[tilespmem:s18+$0x64B0] =	vst.add.f32.msk $0xffff, v7  }
0x9c: {  	[tilespmem:s18+$0xB0] =	vst.add.f32.msk $0xffff, v7  }
0x9d: {  	[tilespmem:s18+$0x80] =	vst.add.f32.msk $0xffff, v6  }
0x9e: {  	s21 =	sadd.s32 $0x400, s21;
	[tilespmem:s18+$0x6490] =	vst.add.f32.msk $0xffff, v1  }
0x9f: {  	s16 =	sshll.u32 s16, $0x1  }
.Ltmp6:
0xa0: {  	s16 =	sadd.s32 s6, s16;
	(pc) =	sbr.rel .LBB2_6-.Ltmp6, $4  }
0xa1: {  	s16 =	smul.u32 $0xC80, s16  }
0xa2: {  	[tilespmem:s18+$0x90] =	vst.add.f32.msk $0xffff, v1  }
0xa3: {  	[tilespmem:s18+$0x64E0] =	vst.add.f32.msk $0xffff, v0;
	s15 =	sadd.s32 $0x3, s15;
	s16 =	sadd.s32 s4, s16  }
0xa4: {  	[hbm4b:s16+s5] =	stream.linear.scatter [tilespmem:s19], [sflag:s15], $0xC800, $0x38;
	[tilespmem:$0x1FC00] =	vst v63  }
.LBB2_8:
0xa5: {  	_ =	sfence.sel $0x180000  }
0xa6: {  	[bflag:$0x0] =	sbarrier.arrive $0xFFFF  }
0xa7: {  	p0 =	sne.s32 s0, $0x0;
	_ =	strace $0x90000047  }
0xa8: {  	s0 =	sadd.s32 @!p0 $0x100000, s2;
	[bflag:$0x2] =	sbarrier.arrive $0xFFFF  }
0xa9: {  	[sflag:s0] =	ssyncadd.tile.s32 @!p0 $0x1;
	_ =	shalt  }
.Lfunc_end2:
_tile_overlayer_lowered:
.L_overlay_start_2:
0xaa: {  	(tag) =	ssettag $0x2  }
0xab: {  	s0 =	rddreg [dreg:$0x0];
	s2 =	stileid.u32  }
0xac: {  	s1 =	rddreg [dreg:$0x1];
	p0 =	sne.s32 s2, $0x0  }
0xad: {  	s3 =	rddreg [dreg:$0x2];
	[bflag:$0x3] =	sbarrier.arrive $0xFFFF;
	s2 =	simm.s32 @!p0 $0x1C05  }
0xae: {  	[timem:s3], [sflag:s2] =	dma.local @!p0 [hbm:s0], s1  }
0xaf: {  	s0 =	simm.s32 @!p0 $0x5  }
0xb0: {  	_ =	swait.ge @!p0 [sflag:s0], s1  }
0xb1: {  	s1 =	ssub.s32 @!p0 $0x0, s1;
	[sflag:s0] =	ssyncset.done @!p0 $0x0  }
0xb2: {  	[sflag:s0] =	ssyncadd.s32 @!p0 s1  }
0xb3: {  	[bflag:$0x3] =	sbarrier.arrive $0xFFFF  }
0xb4: {  	_ =	shalt  }

</sc_bundles>
